<compile_context>
chip_gen: v7x
topology: tpu7x:2x2x1
jax: 0.10.2.dev20260603
libtpu: 0.0.44.dev20260713+nightly
codegen_flags: <defaults>
</compile_context>

<pallas_src>
import functools

import jax
import jax.numpy as jnp
from jax import lax
from jax.experimental import pallas as pl
from jax.experimental.pallas import tpu as pltpu
from jax.experimental.pallas import tpu_sc as plsc

NC = 2
NS = 16
NW = NC * NS
CH = 128
BN_EPS = 1e-3


def _make_gather(B, K):
    b_per_w = B // NW
    n_chunks = b_per_w // CH
    n_tasks = 4 * n_chunks
    mesh = plsc.VectorSubcoreMesh(core_axis_name="c", subcore_axis_name="s")

    @functools.partial(
        pl.kernel,
        mesh=mesh,
        out_type=jax.ShapeDtypeStruct((B, 4 * K), jnp.float32),
        scratch_types=[
            pltpu.VMEM((b_per_w,), jnp.int32),
            pltpu.VMEM((b_per_w,), jnp.int32),
        ] + [pltpu.VMEM((CH, K), jnp.float32)] * 6
          + [pltpu.SemaphoreType.DMA] * 12,
    )
    def gather_kernel(u_hbm, m_hbm, Eu, Em, Eub, Emb, out,
                      idxu, idxm, r0, r1, r2, r3, r4, r5,
                      g0, g1, g2, g3, g4, g5, s0, s1, s2, s3, s4, s5):
        wid = lax.axis_index("s") * NC + lax.axis_index("c")
        base = wid * b_per_w
        cu = pltpu.async_copy(u_hbm.at[pl.ds(base, b_per_w)], idxu, g0)
        cm = pltpu.async_copy(m_hbm.at[pl.ds(base, b_per_w)], idxm, g1)
        cu.wait()
        cm.wait()
        tables = (Eu, Em, Eub, Emb)
        idxs = (idxu, idxm, idxu, idxm)
        rows = (r0, r1, r2, r3, r4, r5)
        gsem = (g0, g1, g2, g3, g4, g5)
        ssem = (s0, s1, s2, s3, s4, s5)
        NBUF = 6

        def task(t):
            ti, ci = divmod(t, n_chunks)
            return tables[ti], idxs[ti], ti, ci

        def fire_gather(t):
            table, idx, ti, ci = task(t)
            b = t % NBUF
            return pltpu.async_copy(
                table.at[idx.at[pl.ds(ci * CH, CH)]], rows[b], gsem[b])

        def fire_scatter(t):
            _, _, ti, ci = task(t)
            b = t % NBUF
            return pltpu.async_copy(
                rows[b],
                out.at[pl.ds(base + ci * CH, CH), pl.ds(ti * K, K)],
                ssem[b])

        depth = min(NBUF, n_tasks)
        gathers = [None] * n_tasks
        scatters = [None] * n_tasks
        for t in range(depth):
            gathers[t] = fire_gather(t)
        for t in range(n_tasks):
            gathers[t].wait()
            scatters[t] = fire_scatter(t)
            nxt = t + depth
            if nxt < n_tasks:
                scatters[t].wait()
                gathers[nxt] = fire_gather(nxt)
        for t in range(max(0, n_tasks - depth), n_tasks):
            scatters[t].wait()

    return gather_kernel


def _dense_body(g_ref, wh_ref, wl_ref, nb1_ref, sp_ref, sn_ref, cp_ref,
                cn_ref, fh_ref, fl_ref, c_ref, o_ref):
    H = 32
    x = g_ref[...]
    xh = x.astype(jnp.bfloat16)
    xl = (x - xh.astype(jnp.float32)).astype(jnp.bfloat16)
    y = jnp.dot(xh, wh_ref[...], preferred_element_type=jnp.float32)
    y += jnp.dot(xh, wl_ref[...], preferred_element_type=jnp.float32)
    y += jnp.dot(xl, wh_ref[...], preferred_element_type=jnp.float32)
    z = jnp.where(y >= nb1_ref[...], y * sp_ref[...] + cp_ref[...],
                  y * sn_ref[...] + cn_ref[...])
    zr = pltpu.roll(z, z.shape[1] - H, axis=1)
    lane = lax.broadcasted_iota(jnp.int32, z.shape, 1)
    combined = jnp.where(lane < H, z * zr, z)
    ch = combined.astype(jnp.bfloat16)
    cl = (combined - ch.astype(jnp.float32)).astype(jnp.bfloat16)
    acc = jnp.dot(ch, fh_ref[...], preferred_element_type=jnp.float32)
    acc += jnp.dot(ch, fl_ref[...], preferred_element_type=jnp.float32)
    acc += jnp.dot(cl, fh_ref[...], preferred_element_type=jnp.float32)
    o_ref[...] = acc + c_ref[0, 0]


def kernel(input_user, input_movie, Eu, Em, Eub, Emb, W1, b1, alpha, gamma,
           beta, mmean, mvar, W2, b2):
    B = input_user.shape[0]
    K = Eu.shape[1]
    H = W1.shape[2]

    u = input_user[:, 0].astype(jnp.int32)
    m = input_movie[:, 0].astype(jnp.int32)

    s = gamma * lax.rsqrt(mvar + BN_EPS)
    sn = alpha * s
    t = beta - mmean * s
    F = 4 * H
    spc = s.reshape(1, F)
    snc = sn.reshape(1, F)
    cpc = (s * b1 + t).reshape(1, F)
    cnc = (sn * b1 + t).reshape(1, F)
    nb1 = (-b1).reshape(1, F)
    Wblk = jnp.zeros((4, K, 4, H), jnp.float32)
    for i in range(4):
        Wblk = Wblk.at[i, :, i, :].set(W1[i])
    Wblk = Wblk.reshape(4 * K, F)
    Wh = Wblk.astype(jnp.bfloat16)
    Wl = (Wblk - Wh.astype(jnp.float32)).astype(jnp.bfloat16)
    wfin = jnp.concatenate(
        [jnp.ones((H, 1), jnp.float32), jnp.zeros((H, 1), jnp.float32),
         W2[0], W2[1]], axis=0)
    fh = wfin.astype(jnp.bfloat16)
    fl = (wfin - fh.astype(jnp.float32)).astype(jnp.bfloat16)
    cbias = (b2[0, 0] + b2[1, 0]).reshape(1, 1)

    NCHUNK = 2
    Bc = B // NCHUNK
    R = 4096
    gather_fn = _make_gather(Bc, K)

    def dense_fn(g):
        return pl.pallas_call(
            _dense_body,
            grid=(Bc // R,),
            in_specs=[
                pl.BlockSpec((R, 4 * K), lambda i: (i, 0)),
                pl.BlockSpec((4 * K, F), lambda i: (0, 0)),
                pl.BlockSpec((4 * K, F), lambda i: (0, 0)),
                pl.BlockSpec((1, F), lambda i: (0, 0)),
                pl.BlockSpec((1, F), lambda i: (0, 0)),
                pl.BlockSpec((1, F), lambda i: (0, 0)),
                pl.BlockSpec((1, F), lambda i: (0, 0)),
                pl.BlockSpec((1, F), lambda i: (0, 0)),
                pl.BlockSpec((F, 1), lambda i: (0, 0)),
                pl.BlockSpec((F, 1), lambda i: (0, 0)),
                pl.BlockSpec((1, 1), lambda i: (0, 0),
                             memory_space=pltpu.SMEM),
            ],
            out_specs=pl.BlockSpec((R, 1), lambda i: (i, 0)),
            out_shape=jax.ShapeDtypeStruct((Bc, 1), jnp.float32),
        )(g, Wh, Wl, nb1, spc, snc, cpc, cnc, fh, fl, cbias)

    outs = []
    for c in range(NCHUNK):
        sl = slice(c * Bc, (c + 1) * Bc)
        g = gather_fn(u[sl], m[sl], Eu, Em, Eub, Emb)
        outs.append(dense_fn(g))
    return jnp.concatenate(outs, axis=0)

# --- scband reference (transcript-rebuilt; emitter-appended) ---
"""Pipeline reference for scband-mfmodel-50431505989764 (READ-ONLY COPY).

The authoritative reference and input builder live on the scoring server;
editing this copy changes nothing except your own understanding.
"""

import jax, jax.numpy as jnp
import numpy as np

NUM_USERS = 100000
NUM_MOVIES = 100000
K = 128
H = 32
B = 16384
BN_EPS = 1e-3


def setup_inputs(seed: int = 0) -> dict:
    key = jax.random.key(seed)
    ks = jax.random.split(key, 16)
    inp = {}
    inp['input_user'] = jax.random.randint(ks[0], (B, 1), 0, NUM_USERS, dtype=jnp.int64) if jax.config.jax_enable_x64 else jax.random.randint(ks[0], (B, 1), 0, NUM_USERS).astype(jnp.int32)
    inp['input_movie'] = jax.random.randint(ks[1], (B, 1), 0, NUM_MOVIES).astype(inp['input_user'].dtype)
    # embedding tables (4 of them, matching the keras model)
    inp['Eu'] = jax.random.normal(ks[2], (NUM_USERS, K), dtype=jnp.float32) * 0.05
    inp['Em'] = jax.random.normal(ks[3], (NUM_MOVIES, K), dtype=jnp.float32) * 0.05
    inp['Eub'] = jax.random.normal(ks[4], (NUM_USERS, K), dtype=jnp.float32) * 0.05
    inp['Emb'] = jax.random.normal(ks[5], (NUM_MOVIES, K), dtype=jnp.float32) * 0.05
    # 4 branches share structure: Dense(K->32), PReLU, BatchNorm (inference mode)
    inp['W1'] = jax.random.normal(ks[6], (4, K, H), dtype=jnp.float32) * (1.0 / np.sqrt(K))
    inp['b1'] = jnp.zeros((4, H), dtype=jnp.float32)
    inp['alpha'] = jnp.full((4, H), 0.25, dtype=jnp.float32)
    inp['gamma'] = jnp.ones((4, H), dtype=jnp.float32)
    inp['beta'] = jnp.zeros((4, H), dtype=jnp.float32)
    inp['mmean'] = jax.random.normal(ks[7], (4, H), dtype=jnp.float32) * 0.1
    inp['mvar'] = jax.random.uniform(ks[8], (4, H), dtype=jnp.float32, minval=0.5, maxval=1.5)
    # final Dense(32->1) for user_bias and movie_bias branches
    inp['W2'] = jax.random.normal(ks[9], (2, H, 1), dtype=jnp.float32) * (1.0 / np.sqrt(H))
    inp['b2'] = jnp.zeros((2, 1), dtype=jnp.float32)
    return inp


def reference(input_user, input_movie, Eu, Em, Eub, Emb, W1, b1, alpha, gamma, beta, mmean, mvar, W2, b2):
    u = input_user[:, 0]
    m = input_movie[:, 0]

    def branch(e, i):
        x = e @ W1[i] + b1[i]                      # Dense(K->32)
        x = jnp.where(x >= 0, x, alpha[i] * x)     # PReLU
        x = (x - mmean[i]) * (gamma[i] / jnp.sqrt(mvar[i] + BN_EPS)) + beta[i]  # BN (inference)
        return x                                   # Dropout is identity at inference

    user_layer = branch(jnp.take(Eu, u, axis=0), 0)
    movie_layer = branch(jnp.take(Em, m, axis=0), 1)
    user_bias = branch(jnp.take(Eub, u, axis=0), 2) @ W2[0] + b2[0]
    movie_bias = branch(jnp.take(Emb, m, axis=0), 3) @ W2[1] + b2[1]
    dotp = jnp.sum(user_layer * movie_layer, axis=1, keepdims=True)
    return dotp + user_bias + movie_bias

if __name__ == "__main__":
    import jax
    _d = setup_inputs()
    print(jax.jit(kernel)(*tuple(_d.values())))

</pallas_src>

<mosaic_0001>
#map = affine_map<(d0, d1) -> (0)>
#map1 = affine_map<(d0, d1) -> (0, 0)>
module attributes {stable_mosaic.version = 14 : i64} {
  func.func @gather_kernel(%arg0: i32, %arg1: i32, %arg2: memref<8192xi32, #tpu.memory_space<hbm>>, %arg3: memref<8192xi32, #tpu.memory_space<hbm>>, %arg4: memref<100000x128xf32, #tpu.memory_space<hbm>>, %arg5: memref<100000x128xf32, #tpu.memory_space<hbm>>, %arg6: memref<100000x128xf32, #tpu.memory_space<hbm>>, %arg7: memref<100000x128xf32, #tpu.memory_space<hbm>>, %arg8: memref<8192x512xf32, #tpu.memory_space<hbm>>, %arg9: memref<256xi32, #tpu.memory_space<vmem>>, %arg10: memref<256xi32, #tpu.memory_space<vmem>>, %arg11: memref<128x128xf32, #tpu.memory_space<vmem>>, %arg12: memref<128x128xf32, #tpu.memory_space<vmem>>, %arg13: memref<128x128xf32, #tpu.memory_space<vmem>>, %arg14: memref<128x128xf32, #tpu.memory_space<vmem>>, %arg15: memref<128x128xf32, #tpu.memory_space<vmem>>, %arg16: memref<128x128xf32, #tpu.memory_space<vmem>>, %arg17: memref<!tpu.dma_semaphore, #tpu.memory_space<semaphore_mem>>, %arg18: memref<!tpu.dma_semaphore, #tpu.memory_space<semaphore_mem>>, %arg19: memref<!tpu.dma_semaphore, #tpu.memory_space<semaphore_mem>>, %arg20: memref<!tpu.dma_semaphore, #tpu.memory_space<semaphore_mem>>, %arg21: memref<!tpu.dma_semaphore, #tpu.memory_space<semaphore_mem>>, %arg22: memref<!tpu.dma_semaphore, #tpu.memory_space<semaphore_mem>>, %arg23: memref<!tpu.dma_semaphore, #tpu.memory_space<semaphore_mem>>, %arg24: memref<!tpu.dma_semaphore, #tpu.memory_space<semaphore_mem>>, %arg25: memref<!tpu.dma_semaphore, #tpu.memory_space<semaphore_mem>>, %arg26: memref<!tpu.dma_semaphore, #tpu.memory_space<semaphore_mem>>, %arg27: memref<!tpu.dma_semaphore, #tpu.memory_space<semaphore_mem>>, %arg28: memref<!tpu.dma_semaphore, #tpu.memory_space<semaphore_mem>>) attributes {dimension_semantics = [#tpu.dimension_semantics<core_parallel>, #tpu.dimension_semantics<subcore_parallel>], iteration_bounds = array<i64: 2, 16>, scalar_prefetch = 0 : i64, scratch_operands = 20 : i64, tpu.core_type = #tpu.core_type<sc_vector_subcore>, window_params = [{transform_indices = #map}, {transform_indices = #map}, {transform_indices = #map1}, {transform_indices = #map1}, {transform_indices = #map1}, {transform_indices = #map1}, {transform_indices = #map1}]} {
    %mul3A = arith.constant 2 : i32
    %mul3A_0 = arith.muli %arg1, %mul3A : i32
    %add3A = arith.addi %mul3A_0, %arg0 : i32
    %mul3A_1 = arith.constant 256 : i32
    %mul3A_2 = arith.muli %add3A, %mul3A_1 : i32
    %dma_start3A = tpu.memref_slice %arg2[%mul3A_2] : memref<8192xi32, #tpu.memory_space<hbm>> -> memref<256xi32, #tpu.memory_space<hbm>>
    %dma_start3A_3 = tpu.memref_slice %arg2[%mul3A_2] : memref<8192xi32, #tpu.memory_space<hbm>> -> memref<256xi32, #tpu.memory_space<hbm>>
    tpu.enqueue_dma source(%dma_start3A_3 : memref<256xi32, #tpu.memory_space<hbm>>) target(%arg9 : memref<256xi32, #tpu.memory_space<vmem>>) target_semaphore(%arg17 : memref<!tpu.dma_semaphore, #tpu.memory_space<semaphore_mem>>)
    %dma_start3A_4 = tpu.memref_slice %arg3[%mul3A_2] : memref<8192xi32, #tpu.memory_space<hbm>> -> memref<256xi32, #tpu.memory_space<hbm>>
    %dma_start3A_5 = tpu.memref_slice %arg3[%mul3A_2] : memref<8192xi32, #tpu.memory_space<hbm>> -> memref<256xi32, #tpu.memory_space<hbm>>
    tpu.enqueue_dma source(%dma_start3A_5 : memref<256xi32, #tpu.memory_space<hbm>>) target(%arg10 : memref<256xi32, #tpu.memory_space<vmem>>) target_semaphore(%arg18 : memref<!tpu.dma_semaphore, #tpu.memory_space<semaphore_mem>>)
    %dma_wait3A = tpu.memref_slice %arg2[%mul3A_2] : memref<8192xi32, #tpu.memory_space<hbm>> -> memref<256xi32, #tpu.memory_space<hbm>>
    %dma_wait3A_6 = tpu.memref_slice %arg2[%mul3A_2] : memref<8192xi32, #tpu.memory_space<hbm>> -> memref<256xi32, #tpu.memory_space<hbm>>
    tpu.wait_dma2 semaphore(%arg17 : memref<!tpu.dma_semaphore, #tpu.memory_space<semaphore_mem>>) src(%dma_wait3A_6 : memref<256xi32, #tpu.memory_space<hbm>>) dst(%arg9 : memref<256xi32, #tpu.memory_space<vmem>>)
    %dma_wait3A_7 = tpu.memref_slice %arg3[%mul3A_2] : memref<8192xi32, #tpu.memory_space<hbm>> -> memref<256xi32, #tpu.memory_space<hbm>>
    %dma_wait3A_8 = tpu.memref_slice %arg3[%mul3A_2] : memref<8192xi32, #tpu.memory_space<hbm>> -> memref<256xi32, #tpu.memory_space<hbm>>
    tpu.wait_dma2 semaphore(%arg18 : memref<!tpu.dma_semaphore, #tpu.memory_space<semaphore_mem>>) src(%dma_wait3A_8 : memref<256xi32, #tpu.memory_space<hbm>>) dst(%arg10 : memref<256xi32, #tpu.memory_space<vmem>>)
    %dma_start3A_9 = arith.constant 0 : i32
    %dma_start3A_10 = tpu.memref_slice %arg9[%dma_start3A_9] : memref<256xi32, #tpu.memory_space<vmem>> -> memref<128xi32, #tpu.memory_space<vmem>>
    %dma_start3A_11 = arith.constant 0 : i32
    %dma_start3A_12 = arith.constant 0 : i32
    %dma_start3A_13 = tpu.memref_slice %arg4[%dma_start3A_11, %dma_start3A_12] : memref<100000x128xf32, #tpu.memory_space<hbm>> -> memref<100000x128xf32, #tpu.memory_space<hbm>>
    tpu.enqueue_indirect_dma source(%dma_start3A_13 : memref<100000x128xf32, #tpu.memory_space<hbm>>) target(%arg11 : memref<128x128xf32, #tpu.memory_space<vmem>>) offsets(%dma_start3A_10 : memref<128xi32, #tpu.memory_space<vmem>>) semaphore(%arg17 : memref<!tpu.dma_semaphore, #tpu.memory_space<semaphore_mem>>)
    %dma_start3A_14 = arith.constant 128 : i32
    %dma_start3A_15 = tpu.memref_slice %arg9[%dma_start3A_14] : memref<256xi32, #tpu.memory_space<vmem>> -> memref<128xi32, #tpu.memory_space<vmem>>
    %dma_start3A_16 = arith.constant 0 : i32
    %dma_start3A_17 = arith.constant 0 : i32
    %dma_start3A_18 = tpu.memref_slice %arg4[%dma_start3A_16, %dma_start3A_17] : memref<100000x128xf32, #tpu.memory_space<hbm>> -> memref<100000x128xf32, #tpu.memory_space<hbm>>
    tpu.enqueue_indirect_dma source(%dma_start3A_18 : memref<100000x128xf32, #tpu.memory_space<hbm>>) target(%arg12 : memref<128x128xf32, #tpu.memory_space<vmem>>) offsets(%dma_start3A_15 : memref<128xi32, #tpu.memory_space<vmem>>) semaphore(%arg18 : memref<!tpu.dma_semaphore, #tpu.memory_space<semaphore_mem>>)
    %dma_start3A_19 = arith.constant 0 : i32
    %dma_start3A_20 = tpu.memref_slice %arg10[%dma_start3A_19] : memref<256xi32, #tpu.memory_space<vmem>> -> memref<128xi32, #tpu.memory_space<vmem>>
    %dma_start3A_21 = arith.constant 0 : i32
    %dma_start3A_22 = arith.constant 0 : i32
    %dma_start3A_23 = tpu.memref_slice %arg5[%dma_start3A_21, %dma_start3A_22] : memref<100000x128xf32, #tpu.memory_space<hbm>> -> memref<100000x128xf32, #tpu.memory_space<hbm>>
    tpu.enqueue_indirect_dma source(%dma_start3A_23 : memref<100000x128xf32, #tpu.memory_space<hbm>>) target(%arg13 : memref<128x128xf32, #tpu.memory_space<vmem>>) offsets(%dma_start3A_20 : memref<128xi32, #tpu.memory_space<vmem>>) semaphore(%arg19 : memref<!tpu.dma_semaphore, #tpu.memory_space<semaphore_mem>>)
    %dma_start3A_24 = arith.constant 128 : i32
    %dma_start3A_25 = tpu.memref_slice %arg10[%dma_start3A_24] : memref<256xi32, #tpu.memory_space<vmem>> -> memref<128xi32, #tpu.memory_space<vmem>>
    %dma_start3A_26 = arith.constant 0 : i32
    %dma_start3A_27 = arith.constant 0 : i32
    %dma_start3A_28 = tpu.memref_slice %arg5[%dma_start3A_26, %dma_start3A_27] : memref<100000x128xf32, #tpu.memory_space<hbm>> -> memref<100000x128xf32, #tpu.memory_space<hbm>>
    tpu.enqueue_indirect_dma source(%dma_start3A_28 : memref<100000x128xf32, #tpu.memory_space<hbm>>) target(%arg14 : memref<128x128xf32, #tpu.memory_space<vmem>>) offsets(%dma_start3A_25 : memref<128xi32, #tpu.memory_space<vmem>>) semaphore(%arg20 : memref<!tpu.dma_semaphore, #tpu.memory_space<semaphore_mem>>)
    %dma_start3A_29 = arith.constant 0 : i32
    %dma_start3A_30 = tpu.memref_slice %arg9[%dma_start3A_29] : memref<256xi32, #tpu.memory_space<vmem>> -> memref<128xi32, #tpu.memory_space<vmem>>
    %dma_start3A_31 = arith.constant 0 : i32
    %dma_start3A_32 = arith.constant 0 : i32
    %dma_start3A_33 = tpu.memref_slice %arg6[%dma_start3A_31, %dma_start3A_32] : memref<100000x128xf32, #tpu.memory_space<hbm>> -> memref<100000x128xf32, #tpu.memory_space<hbm>>
    tpu.enqueue_indirect_dma source(%dma_start3A_33 : memref<100000x128xf32, #tpu.memory_space<hbm>>) target(%arg15 : memref<128x128xf32, #tpu.memory_space<vmem>>) offsets(%dma_start3A_30 : memref<128xi32, #tpu.memory_space<vmem>>) semaphore(%arg21 : memref<!tpu.dma_semaphore, #tpu.memory_space<semaphore_mem>>)
    %dma_start3A_34 = arith.constant 128 : i32
    %dma_start3A_35 = tpu.memref_slice %arg9[%dma_start3A_34] : memref<256xi32, #tpu.memory_space<vmem>> -> memref<128xi32, #tpu.memory_space<vmem>>
    %dma_start3A_36 = arith.constant 0 : i32
    %dma_start3A_37 = arith.constant 0 : i32
    %dma_start3A_38 = tpu.memref_slice %arg6[%dma_start3A_36, %dma_start3A_37] : memref<100000x128xf32, #tpu.memory_space<hbm>> -> memref<100000x128xf32, #tpu.memory_space<hbm>>
    tpu.enqueue_indirect_dma source(%dma_start3A_38 : memref<100000x128xf32, #tpu.memory_space<hbm>>) target(%arg16 : memref<128x128xf32, #tpu.memory_space<vmem>>) offsets(%dma_start3A_35 : memref<128xi32, #tpu.memory_space<vmem>>) semaphore(%arg22 : memref<!tpu.dma_semaphore, #tpu.memory_space<semaphore_mem>>)
    %dma_wait3A_39 = arith.constant 0 : i32
    %dma_wait3A_40 = tpu.memref_slice %arg9[%dma_wait3A_39] : memref<256xi32, #tpu.memory_space<vmem>> -> memref<128xi32, #tpu.memory_space<vmem>>
    %dma_wait3A_41 = arith.constant 0 : i32
    %dma_wait3A_42 = arith.constant 0 : i32
    %dma_wait3A_43 = tpu.memref_slice %arg4[%dma_wait3A_41, %dma_wait3A_42] : memref<100000x128xf32, #tpu.memory_space<hbm>> -> memref<100000x128xf32, #tpu.memory_space<hbm>>
    tpu.wait_indirect_dma semaphore(%arg17 : memref<!tpu.dma_semaphore, #tpu.memory_space<semaphore_mem>>) src(%dma_wait3A_43 : memref<100000x128xf32, #tpu.memory_space<hbm>>) dst(%arg11 : memref<128x128xf32, #tpu.memory_space<vmem>>)
    %add3A_44 = arith.constant 0 : i32
    %add3A_45 = arith.addi %mul3A_2, %add3A_44 : i32
    %dma_start3A_46 = arith.constant 0 : i32
    %dma_start3A_47 = tpu.memref_slice %arg8[%add3A_45, %dma_start3A_46] : memref<8192x512xf32, #tpu.memory_space<hbm>> -> memref<128x128xf32, #tpu.memory_space<hbm>>
    %dma_start3A_48 = arith.constant 0 : i32
    %dma_start3A_49 = tpu.memref_slice %arg8[%add3A_45, %dma_start3A_48] : memref<8192x512xf32, #tpu.memory_space<hbm>> -> memref<128x128xf32, #tpu.memory_space<hbm>>
    tpu.enqueue_dma source(%arg11 : memref<128x128xf32, #tpu.memory_space<vmem>>) target(%dma_start3A_49 : memref<128x128xf32, #tpu.memory_space<hbm>>) target_semaphore(%arg23 : memref<!tpu.dma_semaphore, #tpu.memory_space<semaphore_mem>>)
    %dma_wait3A_50 = arith.constant 0 : i32
    %dma_wait3A_51 = tpu.memref_slice %arg8[%add3A_45, %dma_wait3A_50] : memref<8192x512xf32, #tpu.memory_space<hbm>> -> memref<128x128xf32, #tpu.memory_space<hbm>>
    %dma_wait3A_52 = arith.constant 0 : i32
    %dma_wait3A_53 = tpu.memref_slice %arg8[%add3A_45, %dma_wait3A_52] : memref<8192x512xf32, #tpu.memory_space<hbm>> -> memref<128x128xf32, #tpu.memory_space<hbm>>
    tpu.wait_dma2 semaphore(%arg23 : memref<!tpu.dma_semaphore, #tpu.memory_space<semaphore_mem>>) src(%arg11 : memref<128x128xf32, #tpu.memory_space<vmem>>) dst(%dma_wait3A_53 : memref<128x128xf32, #tpu.memory_space<hbm>>)
    %dma_start3A_54 = arith.constant 0 : i32
    %dma_start3A_55 = tpu.memref_slice %arg10[%dma_start3A_54] : memref<256xi32, #tpu.memory_space<vmem>> -> memref<128xi32, #tpu.memory_space<vmem>>
    %dma_start3A_56 = arith.constant 0 : i32
    %dma_start3A_57 = arith.constant 0 : i32
    %dma_start3A_58 = tpu.memref_slice %arg7[%dma_start3A_56, %dma_start3A_57] : memref<100000x128xf32, #tpu.memory_space<hbm>> -> memref<100000x128xf32, #tpu.memory_space<hbm>>
    tpu.enqueue_indirect_dma source(%dma_start3A_58 : memref<100000x128xf32, #tpu.memory_space<hbm>>) target(%arg11 : memref<128x128xf32, #tpu.memory_space<vmem>>) offsets(%dma_start3A_55 : memref<128xi32, #tpu.memory_space<vmem>>) semaphore(%arg17 : memref<!tpu.dma_semaphore, #tpu.memory_space<semaphore_mem>>)
    %dma_wait3A_59 = arith.constant 128 : i32
    %dma_wait3A_60 = tpu.memref_slice %arg9[%dma_wait3A_59] : memref<256xi32, #tpu.memory_space<vmem>> -> memref<128xi32, #tpu.memory_space<vmem>>
    %dma_wait3A_61 = arith.constant 0 : i32
    %dma_wait3A_62 = arith.constant 0 : i32
    %dma_wait3A_63 = tpu.memref_slice %arg4[%dma_wait3A_61, %dma_wait3A_62] : memref<100000x128xf32, #tpu.memory_space<hbm>> -> memref<100000x128xf32, #tpu.memory_space<hbm>>
    tpu.wait_indirect_dma semaphore(%arg18 : memref<!tpu.dma_semaphore, #tpu.memory_space<semaphore_mem>>) src(%dma_wait3A_63 : memref<100000x128xf32, #tpu.memory_space<hbm>>) dst(%arg12 : memref<128x128xf32, #tpu.memory_space<vmem>>)
    %add3A_64 = arith.constant 128 : i32
    %add3A_65 = arith.addi %mul3A_2, %add3A_64 : i32
    %dma_start3A_66 = arith.constant 0 : i32
    %dma_start3A_67 = tpu.memref_slice %arg8[%add3A_65, %dma_start3A_66] : memref<8192x512xf32, #tpu.memory_space<hbm>> -> memref<128x128xf32, #tpu.memory_space<hbm>>
    %dma_start3A_68 = arith.constant 0 : i32
    %dma_start3A_69 = tpu.memref_slice %arg8[%add3A_65, %dma_start3A_68] : memref<8192x512xf32, #tpu.memory_space<hbm>> -> memref<128x128xf32, #tpu.memory_space<hbm>>
    tpu.enqueue_dma source(%arg12 : memref<128x128xf32, #tpu.memory_space<vmem>>) target(%dma_start3A_69 : memref<128x128xf32, #tpu.memory_space<hbm>>) target_semaphore(%arg24 : memref<!tpu.dma_semaphore, #tpu.memory_space<semaphore_mem>>)
    %dma_wait3A_70 = arith.constant 0 : i32
    %dma_wait3A_71 = tpu.memref_slice %arg8[%add3A_65, %dma_wait3A_70] : memref<8192x512xf32, #tpu.memory_space<hbm>> -> memref<128x128xf32, #tpu.memory_space<hbm>>
    %dma_wait3A_72 = arith.constant 0 : i32
    %dma_wait3A_73 = tpu.memref_slice %arg8[%add3A_65, %dma_wait3A_72] : memref<8192x512xf32, #tpu.memory_space<hbm>> -> memref<128x128xf32, #tpu.memory_space<hbm>>
    tpu.wait_dma2 semaphore(%arg24 : memref<!tpu.dma_semaphore, #tpu.memory_space<semaphore_mem>>) src(%arg12 : memref<128x128xf32, #tpu.memory_space<vmem>>) dst(%dma_wait3A_73 : memref<128x128xf32, #tpu.memory_space<hbm>>)
    %dma_start3A_74 = arith.constant 128 : i32
    %dma_start3A_75 = tpu.memref_slice %arg10[%dma_start3A_74] : memref<256xi32, #tpu.memory_space<vmem>> -> memref<128xi32, #tpu.memory_space<vmem>>
    %dma_start3A_76 = arith.constant 0 : i32
    %dma_start3A_77 = arith.constant 0 : i32
    %dma_start3A_78 = tpu.memref_slice %arg7[%dma_start3A_76, %dma_start3A_77] : memref<100000x128xf32, #tpu.memory_space<hbm>> -> memref<100000x128xf32, #tpu.memory_space<hbm>>
    tpu.enqueue_indirect_dma source(%dma_start3A_78 : memref<100000x128xf32, #tpu.memory_space<hbm>>) target(%arg12 : memref<128x128xf32, #tpu.memory_space<vmem>>) offsets(%dma_start3A_75 : memref<128xi32, #tpu.memory_space<vmem>>) semaphore(%arg18 : memref<!tpu.dma_semaphore, #tpu.memory_space<semaphore_mem>>)
    %dma_wait3A_79 = arith.constant 0 : i32
    %dma_wait3A_80 = tpu.memref_slice %arg10[%dma_wait3A_79] : memref<256xi32, #tpu.memory_space<vmem>> -> memref<128xi32, #tpu.memory_space<vmem>>
    %dma_wait3A_81 = arith.constant 0 : i32
    %dma_wait3A_82 = arith.constant 0 : i32
    %dma_wait3A_83 = tpu.memref_slice %arg5[%dma_wait3A_81, %dma_wait3A_82] : memref<100000x128xf32, #tpu.memory_space<hbm>> -> memref<100000x128xf32, #tpu.memory_space<hbm>>
    tpu.wait_indirect_dma semaphore(%arg19 : memref<!tpu.dma_semaphore, #tpu.memory_space<semaphore_mem>>) src(%dma_wait3A_83 : memref<100000x128xf32, #tpu.memory_space<hbm>>) dst(%arg13 : memref<128x128xf32, #tpu.memory_space<vmem>>)
    %add3A_84 = arith.constant 0 : i32
    %add3A_85 = arith.addi %mul3A_2, %add3A_84 : i32
    %dma_start3A_86 = arith.constant 128 : i32
    %dma_start3A_87 = tpu.memref_slice %arg8[%add3A_85, %dma_start3A_86] : memref<8192x512xf32, #tpu.memory_space<hbm>> -> memref<128x128xf32, #tpu.memory_space<hbm>>
    %dma_start3A_88 = arith.constant 128 : i32
    %dma_start3A_89 = tpu.memref_slice %arg8[%add3A_85, %dma_start3A_88] : memref<8192x512xf32, #tpu.memory_space<hbm>> -> memref<128x128xf32, #tpu.memory_space<hbm>>
    tpu.enqueue_dma source(%arg13 : memref<128x128xf32, #tpu.memory_space<vmem>>) target(%dma_start3A_89 : memref<128x128xf32, #tpu.memory_space<hbm>>) target_semaphore(%arg25 : memref<!tpu.dma_semaphore, #tpu.memory_space<semaphore_mem>>)
    %dma_wait3A_90 = arith.constant 128 : i32
    %dma_wait3A_91 = tpu.memref_slice %arg10[%dma_wait3A_90] : memref<256xi32, #tpu.memory_space<vmem>> -> memref<128xi32, #tpu.memory_space<vmem>>
    %dma_wait3A_92 = arith.constant 0 : i32
    %dma_wait3A_93 = arith.constant 0 : i32
    %dma_wait3A_94 = tpu.memref_slice %arg5[%dma_wait3A_92, %dma_wait3A_93] : memref<100000x128xf32, #tpu.memory_space<hbm>> -> memref<100000x128xf32, #tpu.memory_space<hbm>>
    tpu.wait_indirect_dma semaphore(%arg20 : memref<!tpu.dma_semaphore, #tpu.memory_space<semaphore_mem>>) src(%dma_wait3A_94 : memref<100000x128xf32, #tpu.memory_space<hbm>>) dst(%arg14 : memref<128x128xf32, #tpu.memory_space<vmem>>)
    %add3A_95 = arith.constant 128 : i32
    %add3A_96 = arith.addi %mul3A_2, %add3A_95 : i32
    %dma_start3A_97 = arith.constant 128 : i32
    %dma_start3A_98 = tpu.memref_slice %arg8[%add3A_96, %dma_start3A_97] : memref<8192x512xf32, #tpu.memory_space<hbm>> -> memref<128x128xf32, #tpu.memory_space<hbm>>
    %dma_start3A_99 = arith.constant 128 : i32
    %dma_start3A_100 = tpu.memref_slice %arg8[%add3A_96, %dma_start3A_99] : memref<8192x512xf32, #tpu.memory_space<hbm>> -> memref<128x128xf32, #tpu.memory_space<hbm>>
    tpu.enqueue_dma source(%arg14 : memref<128x128xf32, #tpu.memory_space<vmem>>) target(%dma_start3A_100 : memref<128x128xf32, #tpu.memory_space<hbm>>) target_semaphore(%arg26 : memref<!tpu.dma_semaphore, #tpu.memory_space<semaphore_mem>>)
    %dma_wait3A_101 = arith.constant 0 : i32
    %dma_wait3A_102 = tpu.memref_slice %arg9[%dma_wait3A_101] : memref<256xi32, #tpu.memory_space<vmem>> -> memref<128xi32, #tpu.memory_space<vmem>>
    %dma_wait3A_103 = arith.constant 0 : i32
    %dma_wait3A_104 = arith.constant 0 : i32
    %dma_wait3A_105 = tpu.memref_slice %arg6[%dma_wait3A_103, %dma_wait3A_104] : memref<100000x128xf32, #tpu.memory_space<hbm>> -> memref<100000x128xf32, #tpu.memory_space<hbm>>
    tpu.wait_indirect_dma semaphore(%arg21 : memref<!tpu.dma_semaphore, #tpu.memory_space<semaphore_mem>>) src(%dma_wait3A_105 : memref<100000x128xf32, #tpu.memory_space<hbm>>) dst(%arg15 : memref<128x128xf32, #tpu.memory_space<vmem>>)
    %add3A_106 = arith.constant 0 : i32
    %add3A_107 = arith.addi %mul3A_2, %add3A_106 : i32
    %dma_start3A_108 = arith.constant 256 : i32
    %dma_start3A_109 = tpu.memref_slice %arg8[%add3A_107, %dma_start3A_108] : memref<8192x512xf32, #tpu.memory_space<hbm>> -> memref<128x128xf32, #tpu.memory_space<hbm>>
    %dma_start3A_110 = arith.constant 256 : i32
    %dma_start3A_111 = tpu.memref_slice %arg8[%add3A_107, %dma_start3A_110] : memref<8192x512xf32, #tpu.memory_space<hbm>> -> memref<128x128xf32, #tpu.memory_space<hbm>>
    tpu.enqueue_dma source(%arg15 : memref<128x128xf32, #tpu.memory_space<vmem>>) target(%dma_start3A_111 : memref<128x128xf32, #tpu.memory_space<hbm>>) target_semaphore(%arg27 : memref<!tpu.dma_semaphore, #tpu.memory_space<semaphore_mem>>)
    %dma_wait3A_112 = arith.constant 128 : i32
    %dma_wait3A_113 = tpu.memref_slice %arg9[%dma_wait3A_112] : memref<256xi32, #tpu.memory_space<vmem>> -> memref<128xi32, #tpu.memory_space<vmem>>
    %dma_wait3A_114 = arith.constant 0 : i32
    %dma_wait3A_115 = arith.constant 0 : i32
    %dma_wait3A_116 = tpu.memref_slice %arg6[%dma_wait3A_114, %dma_wait3A_115] : memref<100000x128xf32, #tpu.memory_space<hbm>> -> memref<100000x128xf32, #tpu.memory_space<hbm>>
    tpu.wait_indirect_dma semaphore(%arg22 : memref<!tpu.dma_semaphore, #tpu.memory_space<semaphore_mem>>) src(%dma_wait3A_116 : memref<100000x128xf32, #tpu.memory_space<hbm>>) dst(%arg16 : memref<128x128xf32, #tpu.memory_space<vmem>>)
    %add3A_117 = arith.constant 128 : i32
    %add3A_118 = arith.addi %mul3A_2, %add3A_117 : i32
    %dma_start3A_119 = arith.constant 256 : i32
    %dma_start3A_120 = tpu.memref_slice %arg8[%add3A_118, %dma_start3A_119] : memref<8192x512xf32, #tpu.memory_space<hbm>> -> memref<128x128xf32, #tpu.memory_space<hbm>>
    %dma_start3A_121 = arith.constant 256 : i32
    %dma_start3A_122 = tpu.memref_slice %arg8[%add3A_118, %dma_start3A_121] : memref<8192x512xf32, #tpu.memory_space<hbm>> -> memref<128x128xf32, #tpu.memory_space<hbm>>
    tpu.enqueue_dma source(%arg16 : memref<128x128xf32, #tpu.memory_space<vmem>>) target(%dma_start3A_122 : memref<128x128xf32, #tpu.memory_space<hbm>>) target_semaphore(%arg28 : memref<!tpu.dma_semaphore, #tpu.memory_space<semaphore_mem>>)
    %dma_wait3A_123 = arith.constant 0 : i32
    %dma_wait3A_124 = tpu.memref_slice %arg10[%dma_wait3A_123] : memref<256xi32, #tpu.memory_space<vmem>> -> memref<128xi32, #tpu.memory_space<vmem>>
    %dma_wait3A_125 = arith.constant 0 : i32
    %dma_wait3A_126 = arith.constant 0 : i32
    %dma_wait3A_127 = tpu.memref_slice %arg7[%dma_wait3A_125, %dma_wait3A_126] : memref<100000x128xf32, #tpu.memory_space<hbm>> -> memref<100000x128xf32, #tpu.memory_space<hbm>>
    tpu.wait_indirect_dma semaphore(%arg17 : memref<!tpu.dma_semaphore, #tpu.memory_space<semaphore_mem>>) src(%dma_wait3A_127 : memref<100000x128xf32, #tpu.memory_space<hbm>>) dst(%arg11 : memref<128x128xf32, #tpu.memory_space<vmem>>)
    %add3A_128 = arith.constant 0 : i32
    %add3A_129 = arith.addi %mul3A_2, %add3A_128 : i32
    %dma_start3A_130 = arith.constant 384 : i32
    %dma_start3A_131 = tpu.memref_slice %arg8[%add3A_129, %dma_start3A_130] : memref<8192x512xf32, #tpu.memory_space<hbm>> -> memref<128x128xf32, #tpu.memory_space<hbm>>
    %dma_start3A_132 = arith.constant 384 : i32
    %dma_start3A_133 = tpu.memref_slice %arg8[%add3A_129, %dma_start3A_132] : memref<8192x512xf32, #tpu.memory_space<hbm>> -> memref<128x128xf32, #tpu.memory_space<hbm>>
    tpu.enqueue_dma source(%arg11 : memref<128x128xf32, #tpu.memory_space<vmem>>) target(%dma_start3A_133 : memref<128x128xf32, #tpu.memory_space<hbm>>) target_semaphore(%arg23 : memref<!tpu.dma_semaphore, #tpu.memory_space<semaphore_mem>>)
    %dma_wait3A_134 = arith.constant 128 : i32
    %dma_wait3A_135 = tpu.memref_slice %arg10[%dma_wait3A_134] : memref<256xi32, #tpu.memory_space<vmem>> -> memref<128xi32, #tpu.memory_space<vmem>>
    %dma_wait3A_136 = arith.constant 0 : i32
    %dma_wait3A_137 = arith.constant 0 : i32
    %dma_wait3A_138 = tpu.memref_slice %arg7[%dma_wait3A_136, %dma_wait3A_137] : memref<100000x128xf32, #tpu.memory_space<hbm>> -> memref<100000x128xf32, #tpu.memory_space<hbm>>
    tpu.wait_indirect_dma semaphore(%arg18 : memref<!tpu.dma_semaphore, #tpu.memory_space<semaphore_mem>>) src(%dma_wait3A_138 : memref<100000x128xf32, #tpu.memory_space<hbm>>) dst(%arg12 : memref<128x128xf32, #tpu.memory_space<vmem>>)
    %add3A_139 = arith.constant 128 : i32
    %add3A_140 = arith.addi %mul3A_2, %add3A_139 : i32
    %dma_start3A_141 = arith.constant 384 : i32
    %dma_start3A_142 = tpu.memref_slice %arg8[%add3A_140, %dma_start3A_141] : memref<8192x512xf32, #tpu.memory_space<hbm>> -> memref<128x128xf32, #tpu.memory_space<hbm>>
    %dma_start3A_143 = arith.constant 384 : i32
    %dma_start3A_144 = tpu.memref_slice %arg8[%add3A_140, %dma_start3A_143] : memref<8192x512xf32, #tpu.memory_space<hbm>> -> memref<128x128xf32, #tpu.memory_space<hbm>>
    tpu.enqueue_dma source(%arg12 : memref<128x128xf32, #tpu.memory_space<vmem>>) target(%dma_start3A_144 : memref<128x128xf32, #tpu.memory_space<hbm>>) target_semaphore(%arg24 : memref<!tpu.dma_semaphore, #tpu.memory_space<semaphore_mem>>)
    %dma_wait3A_145 = arith.constant 128 : i32
    %dma_wait3A_146 = tpu.memref_slice %arg8[%add3A_85, %dma_wait3A_145] : memref<8192x512xf32, #tpu.memory_space<hbm>> -> memref<128x128xf32, #tpu.memory_space<hbm>>
    %dma_wait3A_147 = arith.constant 128 : i32
    %dma_wait3A_148 = tpu.memref_slice %arg8[%add3A_85, %dma_wait3A_147] : memref<8192x512xf32, #tpu.memory_space<hbm>> -> memref<128x128xf32, #tpu.memory_space<hbm>>
    tpu.wait_dma2 semaphore(%arg25 : memref<!tpu.dma_semaphore, #tpu.memory_space<semaphore_mem>>) src(%arg13 : memref<128x128xf32, #tpu.memory_space<vmem>>) dst(%dma_wait3A_148 : memref<128x128xf32, #tpu.memory_space<hbm>>)
    %dma_wait3A_149 = arith.constant 128 : i32
    %dma_wait3A_150 = tpu.memref_slice %arg8[%add3A_96, %dma_wait3A_149] : memref<8192x512xf32, #tpu.memory_space<hbm>> -> memref<128x128xf32, #tpu.memory_space<hbm>>
    %dma_wait3A_151 = arith.constant 128 : i32
    %dma_wait3A_152 = tpu.memref_slice %arg8[%add3A_96, %dma_wait3A_151] : memref<8192x512xf32, #tpu.memory_space<hbm>> -> memref<128x128xf32, #tpu.memory_space<hbm>>
    tpu.wait_dma2 semaphore(%arg26 : memref<!tpu.dma_semaphore, #tpu.memory_space<semaphore_mem>>) src(%arg14 : memref<128x128xf32, #tpu.memory_space<vmem>>) dst(%dma_wait3A_152 : memref<128x128xf32, #tpu.memory_space<hbm>>)
    %dma_wait3A_153 = arith.constant 256 : i32
    %dma_wait3A_154 = tpu.memref_slice %arg8[%add3A_107, %dma_wait3A_153] : memref<8192x512xf32, #tpu.memory_space<hbm>> -> memref<128x128xf32, #tpu.memory_space<hbm>>
    %dma_wait3A_155 = arith.constant 256 : i32
    %dma_wait3A_156 = tpu.memref_slice %arg8[%add3A_107, %dma_wait3A_155] : memref<8192x512xf32, #tpu.memory_space<hbm>> -> memref<128x128xf32, #tpu.memory_space<hbm>>
    tpu.wait_dma2 semaphore(%arg27 : memref<!tpu.dma_semaphore, #tpu.memory_space<semaphore_mem>>) src(%arg15 : memref<128x128xf32, #tpu.memory_space<vmem>>) dst(%dma_wait3A_156 : memref<128x128xf32, #tpu.memory_space<hbm>>)
    %dma_wait3A_157 = arith.constant 256 : i32
    %dma_wait3A_158 = tpu.memref_slice %arg8[%add3A_118, %dma_wait3A_157] : memref<8192x512xf32, #tpu.memory_space<hbm>> -> memref<128x128xf32, #tpu.memory_space<hbm>>
    %dma_wait3A_159 = arith.constant 256 : i32
    %dma_wait3A_160 = tpu.memref_slice %arg8[%add3A_118, %dma_wait3A_159] : memref<8192x512xf32, #tpu.memory_space<hbm>> -> memref<128x128xf32, #tpu.memory_space<hbm>>
    tpu.wait_dma2 semaphore(%arg28 : memref<!tpu.dma_semaphore, #tpu.memory_space<semaphore_mem>>) src(%arg16 : memref<128x128xf32, #tpu.memory_space<vmem>>) dst(%dma_wait3A_160 : memref<128x128xf32, #tpu.memory_space<hbm>>)
    %dma_wait3A_161 = arith.constant 384 : i32
    %dma_wait3A_162 = tpu.memref_slice %arg8[%add3A_129, %dma_wait3A_161] : memref<8192x512xf32, #tpu.memory_space<hbm>> -> memref<128x128xf32, #tpu.memory_space<hbm>>
    %dma_wait3A_163 = arith.constant 384 : i32
    %dma_wait3A_164 = tpu.memref_slice %arg8[%add3A_129, %dma_wait3A_163] : memref<8192x512xf32, #tpu.memory_space<hbm>> -> memref<128x128xf32, #tpu.memory_space<hbm>>
    tpu.wait_dma2 semaphore(%arg23 : memref<!tpu.dma_semaphore, #tpu.memory_space<semaphore_mem>>) src(%arg11 : memref<128x128xf32, #tpu.memory_space<vmem>>) dst(%dma_wait3A_164 : memref<128x128xf32, #tpu.memory_space<hbm>>)
    %dma_wait3A_165 = arith.constant 384 : i32
    %dma_wait3A_166 = tpu.memref_slice %arg8[%add3A_140, %dma_wait3A_165] : memref<8192x512xf32, #tpu.memory_space<hbm>> -> memref<128x128xf32, #tpu.memory_space<hbm>>
    %dma_wait3A_167 = arith.constant 384 : i32
    %dma_wait3A_168 = tpu.memref_slice %arg8[%add3A_140, %dma_wait3A_167] : memref<8192x512xf32, #tpu.memory_space<hbm>> -> memref<128x128xf32, #tpu.memory_space<hbm>>
    tpu.wait_dma2 semaphore(%arg24 : memref<!tpu.dma_semaphore, #tpu.memory_space<semaphore_mem>>) src(%arg12 : memref<128x128xf32, #tpu.memory_space<vmem>>) dst(%dma_wait3A_168 : memref<128x128xf32, #tpu.memory_space<hbm>>)
    return
  }
}

#map = affine_map<(d0, d1) -> (0)>
#map1 = affine_map<(d0, d1) -> (0, 0)>
module attributes {stable_mosaic.version = 14 : i64} {
  func.func @gather_kernel(%arg0: i32, %arg1: i32, %arg2: memref<8192xi32, #tpu.memory_space<hbm>>, %arg3: memref<8192xi32, #tpu.memory_space<hbm>>, %arg4: memref<100000x128xf32, #tpu.memory_space<hbm>>, %arg5: memref<100000x128xf32, #tpu.memory_space<hbm>>, %arg6: memref<100000x128xf32, #tpu.memory_space<hbm>>, %arg7: memref<100000x128xf32, #tpu.memory_space<hbm>>, %arg8: memref<8192x512xf32, #tpu.memory_space<hbm>>, %arg9: memref<256xi32, #tpu.memory_space<vmem>>, %arg10: memref<256xi32, #tpu.memory_space<vmem>>, %arg11: memref<128x128xf32, #tpu.memory_space<vmem>>, %arg12: memref<128x128xf32, #tpu.memory_space<vmem>>, %arg13: memref<128x128xf32, #tpu.memory_space<vmem>>, %arg14: memref<128x128xf32, #tpu.memory_space<vmem>>, %arg15: memref<128x128xf32, #tpu.memory_space<vmem>>, %arg16: memref<128x128xf32, #tpu.memory_space<vmem>>, %arg17: memref<!tpu.dma_semaphore, #tpu.memory_space<semaphore_mem>>, %arg18: memref<!tpu.dma_semaphore, #tpu.memory_space<semaphore_mem>>, %arg19: memref<!tpu.dma_semaphore, #tpu.memory_space<semaphore_mem>>, %arg20: memref<!tpu.dma_semaphore, #tpu.memory_space<semaphore_mem>>, %arg21: memref<!tpu.dma_semaphore, #tpu.memory_space<semaphore_mem>>, %arg22: memref<!tpu.dma_semaphore, #tpu.memory_space<semaphore_mem>>, %arg23: memref<!tpu.dma_semaphore, #tpu.memory_space<semaphore_mem>>, %arg24: memref<!tpu.dma_semaphore, #tpu.memory_space<semaphore_mem>>, %arg25: memref<!tpu.dma_semaphore, #tpu.memory_space<semaphore_mem>>, %arg26: memref<!tpu.dma_semaphore, #tpu.memory_space<semaphore_mem>>, %arg27: memref<!tpu.dma_semaphore, #tpu.memory_space<semaphore_mem>>, %arg28: memref<!tpu.dma_semaphore, #tpu.memory_space<semaphore_mem>>) attributes {dimension_semantics = [#tpu.dimension_semantics<core_parallel>, #tpu.dimension_semantics<subcore_parallel>], iteration_bounds = array<i64: 2, 16>, scalar_prefetch = 0 : i64, scratch_operands = 20 : i64, tpu.core_type = #tpu.core_type<sc_vector_subcore>, window_params = [{transform_indices = #map}, {transform_indices = #map}, {transform_indices = #map1}, {transform_indices = #map1}, {transform_indices = #map1}, {transform_indices = #map1}, {transform_indices = #map1}]} {
    %mul3A = arith.constant 2 : i32
    %mul3A_0 = arith.muli %arg1, %mul3A : i32
    %add3A = arith.addi %mul3A_0, %arg0 : i32
    %mul3A_1 = arith.constant 256 : i32
    %mul3A_2 = arith.muli %add3A, %mul3A_1 : i32
    %dma_start3A = tpu.memref_slice %arg2[%mul3A_2] : memref<8192xi32, #tpu.memory_space<hbm>> -> memref<256xi32, #tpu.memory_space<hbm>>
    %dma_start3A_3 = tpu.memref_slice %arg2[%mul3A_2] : memref<8192xi32, #tpu.memory_space<hbm>> -> memref<256xi32, #tpu.memory_space<hbm>>
    tpu.enqueue_dma source(%dma_start3A_3 : memref<256xi32, #tpu.memory_space<hbm>>) target(%arg9 : memref<256xi32, #tpu.memory_space<vmem>>) target_semaphore(%arg17 : memref<!tpu.dma_semaphore, #tpu.memory_space<semaphore_mem>>)
    %dma_start3A_4 = tpu.memref_slice %arg3[%mul3A_2] : memref<8192xi32, #tpu.memory_space<hbm>> -> memref<256xi32, #tpu.memory_space<hbm>>
    %dma_start3A_5 = tpu.memref_slice %arg3[%mul3A_2] : memref<8192xi32, #tpu.memory_space<hbm>> -> memref<256xi32, #tpu.memory_space<hbm>>
    tpu.enqueue_dma source(%dma_start3A_5 : memref<256xi32, #tpu.memory_space<hbm>>) target(%arg10 : memref<256xi32, #tpu.memory_space<vmem>>) target_semaphore(%arg18 : memref<!tpu.dma_semaphore, #tpu.memory_space<semaphore_mem>>)
    %dma_wait3A = tpu.memref_slice %arg2[%mul3A_2] : memref<8192xi32, #tpu.memory_space<hbm>> -> memref<256xi32, #tpu.memory_space<hbm>>
    %dma_wait3A_6 = tpu.memref_slice %arg2[%mul3A_2] : memref<8192xi32, #tpu.memory_space<hbm>> -> memref<256xi32, #tpu.memory_space<hbm>>
    tpu.wait_dma2 semaphore(%arg17 : memref<!tpu.dma_semaphore, #tpu.memory_space<semaphore_mem>>) src(%dma_wait3A_6 : memref<256xi32, #tpu.memory_space<hbm>>) dst(%arg9 : memref<256xi32, #tpu.memory_space<vmem>>)
    %dma_wait3A_7 = tpu.memref_slice %arg3[%mul3A_2] : memref<8192xi32, #tpu.memory_space<hbm>> -> memref<256xi32, #tpu.memory_space<hbm>>
    %dma_wait3A_8 = tpu.memref_slice %arg3[%mul3A_2] : memref<8192xi32, #tpu.memory_space<hbm>> -> memref<256xi32, #tpu.memory_space<hbm>>
    tpu.wait_dma2 semaphore(%arg18 : memref<!tpu.dma_semaphore, #tpu.memory_space<semaphore_mem>>) src(%dma_wait3A_8 : memref<256xi32, #tpu.memory_space<hbm>>) dst(%arg10 : memref<256xi32, #tpu.memory_space<vmem>>)
    %dma_start3A_9 = arith.constant 0 : i32
    %dma_start3A_10 = tpu.memref_slice %arg9[%dma_start3A_9] : memref<256xi32, #tpu.memory_space<vmem>> -> memref<128xi32, #tpu.memory_space<vmem>>
    %dma_start3A_11 = arith.constant 0 : i32
    %dma_start3A_12 = arith.constant 0 : i32
    %dma_start3A_13 = tpu.memref_slice %arg4[%dma_start3A_11, %dma_start3A_12] : memref<100000x128xf32, #tpu.memory_space<hbm>> -> memref<100000x128xf32, #tpu.memory_space<hbm>>
    tpu.enqueue_indirect_dma source(%dma_start3A_13 : memref<100000x128xf32, #tpu.memory_space<hbm>>) target(%arg11 : memref<128x128xf32, #tpu.memory_space<vmem>>) offsets(%dma_start3A_10 : memref<128xi32, #tpu.memory_space<vmem>>) semaphore(%arg17 : memref<!tpu.dma_semaphore, #tpu.memory_space<semaphore_mem>>)
    %dma_start3A_14 = arith.constant 128 : i32
    %dma_start3A_15 = tpu.memref_slice %arg9[%dma_start3A_14] : memref<256xi32, #tpu.memory_space<vmem>> -> memref<128xi32, #tpu.memory_space<vmem>>
    %dma_start3A_16 = arith.constant 0 : i32
    %dma_start3A_17 = arith.constant 0 : i32
    %dma_start3A_18 = tpu.memref_slice %arg4[%dma_start3A_16, %dma_start3A_17] : memref<100000x128xf32, #tpu.memory_space<hbm>> -> memref<100000x128xf32, #tpu.memory_space<hbm>>
    tpu.enqueue_indirect_dma source(%dma_start3A_18 : memref<100000x128xf32, #tpu.memory_space<hbm>>) target(%arg12 : memref<128x128xf32, #tpu.memory_space<vmem>>) offsets(%dma_start3A_15 : memref<128xi32, #tpu.memory_space<vmem>>) semaphore(%arg18 : memref<!tpu.dma_semaphore, #tpu.memory_space<semaphore_mem>>)
    %dma_start3A_19 = arith.constant 0 : i32
    %dma_start3A_20 = tpu.memref_slice %arg10[%dma_start3A_19] : memref<256xi32, #tpu.memory_space<vmem>> -> memref<128xi32, #tpu.memory_space<vmem>>
    %dma_start3A_21 = arith.constant 0 : i32
    %dma_start3A_22 = arith.constant 0 : i32
    %dma_start3A_23 = tpu.memref_slice %arg5[%dma_start3A_21, %dma_start3A_22] : memref<100000x128xf32, #tpu.memory_space<hbm>> -> memref<100000x128xf32, #tpu.memory_space<hbm>>
    tpu.enqueue_indirect_dma source(%dma_start3A_23 : memref<100000x128xf32, #tpu.memory_space<hbm>>) target(%arg13 : memref<128x128xf32, #tpu.memory_space<vmem>>) offsets(%dma_start3A_20 : memref<128xi32, #tpu.memory_space<vmem>>) semaphore(%arg19 : memref<!tpu.dma_semaphore, #tpu.memory_space<semaphore_mem>>)
    %dma_start3A_24 = arith.constant 128 : i32
    %dma_start3A_25 = tpu.memref_slice %arg10[%dma_start3A_24] : memref<256xi32, #tpu.memory_space<vmem>> -> memref<128xi32, #tpu.memory_space<vmem>>
    %dma_start3A_26 = arith.constant 0 : i32
    %dma_start3A_27 = arith.constant 0 : i32
    %dma_start3A_28 = tpu.memref_slice %arg5[%dma_start3A_26, %dma_start3A_27] : memref<100000x128xf32, #tpu.memory_space<hbm>> -> memref<100000x128xf32, #tpu.memory_space<hbm>>
    tpu.enqueue_indirect_dma source(%dma_start3A_28 : memref<100000x128xf32, #tpu.memory_space<hbm>>) target(%arg14 : memref<128x128xf32, #tpu.memory_space<vmem>>) offsets(%dma_start3A_25 : memref<128xi32, #tpu.memory_space<vmem>>) semaphore(%arg20 : memref<!tpu.dma_semaphore, #tpu.memory_space<semaphore_mem>>)
    %dma_start3A_29 = arith.constant 0 : i32
    %dma_start3A_30 = tpu.memref_slice %arg9[%dma_start3A_29] : memref<256xi32, #tpu.memory_space<vmem>> -> memref<128xi32, #tpu.memory_space<vmem>>
    %dma_start3A_31 = arith.constant 0 : i32
    %dma_start3A_32 = arith.constant 0 : i32
    %dma_start3A_33 = tpu.memref_slice %arg6[%dma_start3A_31, %dma_start3A_32] : memref<100000x128xf32, #tpu.memory_space<hbm>> -> memref<100000x128xf32, #tpu.memory_space<hbm>>
    tpu.enqueue_indirect_dma source(%dma_start3A_33 : memref<100000x128xf32, #tpu.memory_space<hbm>>) target(%arg15 : memref<128x128xf32, #tpu.memory_space<vmem>>) offsets(%dma_start3A_30 : memref<128xi32, #tpu.memory_space<vmem>>) semaphore(%arg21 : memref<!tpu.dma_semaphore, #tpu.memory_space<semaphore_mem>>)
    %dma_start3A_34 = arith.constant 128 : i32
    %dma_start3A_35 = tpu.memref_slice %arg9[%dma_start3A_34] : memref<256xi32, #tpu.memory_space<vmem>> -> memref<128xi32, #tpu.memory_space<vmem>>
    %dma_start3A_36 = arith.constant 0 : i32
    %dma_start3A_37 = arith.constant 0 : i32
    %dma_start3A_38 = tpu.memref_slice %arg6[%dma_start3A_36, %dma_start3A_37] : memref<100000x128xf32, #tpu.memory_space<hbm>> -> memref<100000x128xf32, #tpu.memory_space<hbm>>
    tpu.enqueue_indirect_dma source(%dma_start3A_38 : memref<100000x128xf32, #tpu.memory_space<hbm>>) target(%arg16 : memref<128x128xf32, #tpu.memory_space<vmem>>) offsets(%dma_start3A_35 : memref<128xi32, #tpu.memory_space<vmem>>) semaphore(%arg22 : memref<!tpu.dma_semaphore, #tpu.memory_space<semaphore_mem>>)
    %dma_wait3A_39 = arith.constant 0 : i32
    %dma_wait3A_40 = tpu.memref_slice %arg9[%dma_wait3A_39] : memref<256xi32, #tpu.memory_space<vmem>> -> memref<128xi32, #tpu.memory_space<vmem>>
    %dma_wait3A_41 = arith.constant 0 : i32
    %dma_wait3A_42 = arith.constant 0 : i32
    %dma_wait3A_43 = tpu.memref_slice %arg4[%dma_wait3A_41, %dma_wait3A_42] : memref<100000x128xf32, #tpu.memory_space<hbm>> -> memref<100000x128xf32, #tpu.memory_space<hbm>>
    tpu.wait_indirect_dma semaphore(%arg17 : memref<!tpu.dma_semaphore, #tpu.memory_space<semaphore_mem>>) src(%dma_wait3A_43 : memref<100000x128xf32, #tpu.memory_space<hbm>>) dst(%arg11 : memref<128x128xf32, #tpu.memory_space<vmem>>)
    %add3A_44 = arith.constant 0 : i32
    %add3A_45 = arith.addi %mul3A_2, %add3A_44 : i32
    %dma_start3A_46 = arith.constant 0 : i32
    %dma_start3A_47 = tpu.memref_slice %arg8[%add3A_45, %dma_start3A_46] : memref<8192x512xf32, #tpu.memory_space<hbm>> -> memref<128x128xf32, #tpu.memory_space<hbm>>
    %dma_start3A_48 = arith.constant 0 : i32
    %dma_start3A_49 = tpu.memref_slice %arg8[%add3A_45, %dma_start3A_48] : memref<8192x512xf32, #tpu.memory_space<hbm>> -> memref<128x128xf32, #tpu.memory_space<hbm>>
    tpu.enqueue_dma source(%arg11 : memref<128x128xf32, #tpu.memory_space<vmem>>) target(%dma_start3A_49 : memref<128x128xf32, #tpu.memory_space<hbm>>) target_semaphore(%arg23 : memref<!tpu.dma_semaphore, #tpu.memory_space<semaphore_mem>>)
    %dma_wait3A_50 = arith.constant 0 : i32
    %dma_wait3A_51 = tpu.memref_slice %arg8[%add3A_45, %dma_wait3A_50] : memref<8192x512xf32, #tpu.memory_space<hbm>> -> memref<128x128xf32, #tpu.memory_space<hbm>>
    %dma_wait3A_52 = arith.constant 0 : i32
    %dma_wait3A_53 = tpu.memref_slice %arg8[%add3A_45, %dma_wait3A_52] : memref<8192x512xf32, #tpu.memory_space<hbm>> -> memref<128x128xf32, #tpu.memory_space<hbm>>
    tpu.wait_dma2 semaphore(%arg23 : memref<!tpu.dma_semaphore, #tpu.memory_space<semaphore_mem>>) src(%arg11 : memref<128x128xf32, #tpu.memory_space<vmem>>) dst(%dma_wait3A_53 : memref<128x128xf32, #tpu.memory_space<hbm>>)
    %dma_start3A_54 = arith.constant 0 : i32
    %dma_start3A_55 = tpu.memref_slice %arg10[%dma_start3A_54] : memref<256xi32, #tpu.memory_space<vmem>> -> memref<128xi32, #tpu.memory_space<vmem>>
    %dma_start3A_56 = arith.constant 0 : i32
    %dma_start3A_57 = arith.constant 0 : i32
    %dma_start3A_58 = tpu.memref_slice %arg7[%dma_start3A_56, %dma_start3A_57] : memref<100000x128xf32, #tpu.memory_space<hbm>> -> memref<100000x128xf32, #tpu.memory_space<hbm>>
    tpu.enqueue_indirect_dma source(%dma_start3A_58 : memref<100000x128xf32, #tpu.memory_space<hbm>>) target(%arg11 : memref<128x128xf32, #tpu.memory_space<vmem>>) offsets(%dma_start3A_55 : memref<128xi32, #tpu.memory_space<vmem>>) semaphore(%arg17 : memref<!tpu.dma_semaphore, #tpu.memory_space<semaphore_mem>>)
    %dma_wait3A_59 = arith.constant 128 : i32
    %dma_wait3A_60 = tpu.memref_slice %arg9[%dma_wait3A_59] : memref<256xi32, #tpu.memory_space<vmem>> -> memref<128xi32, #tpu.memory_space<vmem>>
    %dma_wait3A_61 = arith.constant 0 : i32
    %dma_wait3A_62 = arith.constant 0 : i32
    %dma_wait3A_63 = tpu.memref_slice %arg4[%dma_wait3A_61, %dma_wait3A_62] : memref<100000x128xf32, #tpu.memory_space<hbm>> -> memref<100000x128xf32, #tpu.memory_space<hbm>>
    tpu.wait_indirect_dma semaphore(%arg18 : memref<!tpu.dma_semaphore, #tpu.memory_space<semaphore_mem>>) src(%dma_wait3A_63 : memref<100000x128xf32, #tpu.memory_space<hbm>>) dst(%arg12 : memref<128x128xf32, #tpu.memory_space<vmem>>)
    %add3A_64 = arith.constant 128 : i32
    %add3A_65 = arith.addi %mul3A_2, %add3A_64 : i32
    %dma_start3A_66 = arith.constant 0 : i32
    %dma_start3A_67 = tpu.memref_slice %arg8[%add3A_65, %dma_start3A_66] : memref<8192x512xf32, #tpu.memory_space<hbm>> -> memref<128x128xf32, #tpu.memory_space<hbm>>
    %dma_start3A_68 = arith.constant 0 : i32
    %dma_start3A_69 = tpu.memref_slice %arg8[%add3A_65, %dma_start3A_68] : memref<8192x512xf32, #tpu.memory_space<hbm>> -> memref<128x128xf32, #tpu.memory_space<hbm>>
    tpu.enqueue_dma source(%arg12 : memref<128x128xf32, #tpu.memory_space<vmem>>) target(%dma_start3A_69 : memref<128x128xf32, #tpu.memory_space<hbm>>) target_semaphore(%arg24 : memref<!tpu.dma_semaphore, #tpu.memory_space<semaphore_mem>>)
    %dma_wait3A_70 = arith.constant 0 : i32
    %dma_wait3A_71 = tpu.memref_slice %arg8[%add3A_65, %dma_wait3A_70] : memref<8192x512xf32, #tpu.memory_space<hbm>> -> memref<128x128xf32, #tpu.memory_space<hbm>>
    %dma_wait3A_72 = arith.constant 0 : i32
    %dma_wait3A_73 = tpu.memref_slice %arg8[%add3A_65, %dma_wait3A_72] : memref<8192x512xf32, #tpu.memory_space<hbm>> -> memref<128x128xf32, #tpu.memory_space<hbm>>
    tpu.wait_dma2 semaphore(%arg24 : memref<!tpu.dma_semaphore, #tpu.memory_space<semaphore_mem>>) src(%arg12 : memref<128x128xf32, #tpu.memory_space<vmem>>) dst(%dma_wait3A_73 : memref<128x128xf32, #tpu.memory_space<hbm>>)
    %dma_start3A_74 = arith.constant 128 : i32
    %dma_start3A_75 = tpu.memref_slice %arg10[%dma_start3A_74] : memref<256xi32, #tpu.memory_space<vmem>> -> memref<128xi32, #tpu.memory_space<vmem>>
    %dma_start3A_76 = arith.constant 0 : i32
    %dma_start3A_77 = arith.constant 0 : i32
    %dma_start3A_78 = tpu.memref_slice %arg7[%dma_start3A_76, %dma_start3A_77] : memref<100000x128xf32, #tpu.memory_space<hbm>> -> memref<100000x128xf32, #tpu.memory_space<hbm>>
    tpu.enqueue_indirect_dma source(%dma_start3A_78 : memref<100000x128xf32, #tpu.memory_space<hbm>>) target(%arg12 : memref<128x128xf32, #tpu.memory_space<vmem>>) offsets(%dma_start3A_75 : memref<128xi32, #tpu.memory_space<vmem>>) semaphore(%arg18 : memref<!tpu.dma_semaphore, #tpu.memory_space<semaphore_mem>>)
    %dma_wait3A_79 = arith.constant 0 : i32
    %dma_wait3A_80 = tpu.memref_slice %arg10[%dma_wait3A_79] : memref<256xi32, #tpu.memory_space<vmem>> -> memref<128xi32, #tpu.memory_space<vmem>>
    %dma_wait3A_81 = arith.constant 0 : i32
    %dma_wait3A_82 = arith.constant 0 : i32
    %dma_wait3A_83 = tpu.memref_slice %arg5[%dma_wait3A_81, %dma_wait3A_82] : memref<100000x128xf32, #tpu.memory_space<hbm>> -> memref<100000x128xf32, #tpu.memory_space<hbm>>
    tpu.wait_indirect_dma semaphore(%arg19 : memref<!tpu.dma_semaphore, #tpu.memory_space<semaphore_mem>>) src(%dma_wait3A_83 : memref<100000x128xf32, #tpu.memory_space<hbm>>) dst(%arg13 : memref<128x128xf32, #tpu.memory_space<vmem>>)
    %add3A_84 = arith.constant 0 : i32
    %add3A_85 = arith.addi %mul3A_2, %add3A_84 : i32
    %dma_start3A_86 = arith.constant 128 : i32
    %dma_start3A_87 = tpu.memref_slice %arg8[%add3A_85, %dma_start3A_86] : memref<8192x512xf32, #tpu.memory_space<hbm>> -> memref<128x128xf32, #tpu.memory_space<hbm>>
    %dma_start3A_88 = arith.constant 128 : i32
    %dma_start3A_89 = tpu.memref_slice %arg8[%add3A_85, %dma_start3A_88] : memref<8192x512xf32, #tpu.memory_space<hbm>> -> memref<128x128xf32, #tpu.memory_space<hbm>>
    tpu.enqueue_dma source(%arg13 : memref<128x128xf32, #tpu.memory_space<vmem>>) target(%dma_start3A_89 : memref<128x128xf32, #tpu.memory_space<hbm>>) target_semaphore(%arg25 : memref<!tpu.dma_semaphore, #tpu.memory_space<semaphore_mem>>)
    %dma_wait3A_90 = arith.constant 128 : i32
    %dma_wait3A_91 = tpu.memref_slice %arg10[%dma_wait3A_90] : memref<256xi32, #tpu.memory_space<vmem>> -> memref<128xi32, #tpu.memory_space<vmem>>
    %dma_wait3A_92 = arith.constant 0 : i32
    %dma_wait3A_93 = arith.constant 0 : i32
    %dma_wait3A_94 = tpu.memref_slice %arg5[%dma_wait3A_92, %dma_wait3A_93] : memref<100000x128xf32, #tpu.memory_space<hbm>> -> memref<100000x128xf32, #tpu.memory_space<hbm>>
    tpu.wait_indirect_dma semaphore(%arg20 : memref<!tpu.dma_semaphore, #tpu.memory_space<semaphore_mem>>) src(%dma_wait3A_94 : memref<100000x128xf32, #tpu.memory_space<hbm>>) dst(%arg14 : memref<128x128xf32, #tpu.memory_space<vmem>>)
    %add3A_95 = arith.constant 128 : i32
    %add3A_96 = arith.addi %mul3A_2, %add3A_95 : i32
    %dma_start3A_97 = arith.constant 128 : i32
    %dma_start3A_98 = tpu.memref_slice %arg8[%add3A_96, %dma_start3A_97] : memref<8192x512xf32, #tpu.memory_space<hbm>> -> memref<128x128xf32, #tpu.memory_space<hbm>>
    %dma_start3A_99 = arith.constant 128 : i32
    %dma_start3A_100 = tpu.memref_slice %arg8[%add3A_96, %dma_start3A_99] : memref<8192x512xf32, #tpu.memory_space<hbm>> -> memref<128x128xf32, #tpu.memory_space<hbm>>
    tpu.enqueue_dma source(%arg14 : memref<128x128xf32, #tpu.memory_space<vmem>>) target(%dma_start3A_100 : memref<128x128xf32, #tpu.memory_space<hbm>>) target_semaphore(%arg26 : memref<!tpu.dma_semaphore, #tpu.memory_space<semaphore_mem>>)
    %dma_wait3A_101 = arith.constant 0 : i32
    %dma_wait3A_102 = tpu.memref_slice %arg9[%dma_wait3A_101] : memref<256xi32, #tpu.memory_space<vmem>> -> memref<128xi32, #tpu.memory_space<vmem>>
    %dma_wait3A_103 = arith.constant 0 : i32
    %dma_wait3A_104 = arith.constant 0 : i32
    %dma_wait3A_105 = tpu.memref_slice %arg6[%dma_wait3A_103, %dma_wait3A_104] : memref<100000x128xf32, #tpu.memory_space<hbm>> -> memref<100000x128xf32, #tpu.memory_space<hbm>>
    tpu.wait_indirect_dma semaphore(%arg21 : memref<!tpu.dma_semaphore, #tpu.memory_space<semaphore_mem>>) src(%dma_wait3A_105 : memref<100000x128xf32, #tpu.memory_space<hbm>>) dst(%arg15 : memref<128x128xf32, #tpu.memory_space<vmem>>)
    %add3A_106 = arith.constant 0 : i32
    %add3A_107 = arith.addi %mul3A_2, %add3A_106 : i32
    %dma_start3A_108 = arith.constant 256 : i32
    %dma_start3A_109 = tpu.memref_slice %arg8[%add3A_107, %dma_start3A_108] : memref<8192x512xf32, #tpu.memory_space<hbm>> -> memref<128x128xf32, #tpu.memory_space<hbm>>
    %dma_start3A_110 = arith.constant 256 : i32
    %dma_start3A_111 = tpu.memref_slice %arg8[%add3A_107, %dma_start3A_110] : memref<8192x512xf32, #tpu.memory_space<hbm>> -> memref<128x128xf32, #tpu.memory_space<hbm>>
    tpu.enqueue_dma source(%arg15 : memref<128x128xf32, #tpu.memory_space<vmem>>) target(%dma_start3A_111 : memref<128x128xf32, #tpu.memory_space<hbm>>) target_semaphore(%arg27 : memref<!tpu.dma_semaphore, #tpu.memory_space<semaphore_mem>>)
    %dma_wait3A_112 = arith.constant 128 : i32
    %dma_wait3A_113 = tpu.memref_slice %arg9[%dma_wait3A_112] : memref<256xi32, #tpu.memory_space<vmem>> -> memref<128xi32, #tpu.memory_space<vmem>>
    %dma_wait3A_114 = arith.constant 0 : i32
    %dma_wait3A_115 = arith.constant 0 : i32
    %dma_wait3A_116 = tpu.memref_slice %arg6[%dma_wait3A_114, %dma_wait3A_115] : memref<100000x128xf32, #tpu.memory_space<hbm>> -> memref<100000x128xf32, #tpu.memory_space<hbm>>
    tpu.wait_indirect_dma semaphore(%arg22 : memref<!tpu.dma_semaphore, #tpu.memory_space<semaphore_mem>>) src(%dma_wait3A_116 : memref<100000x128xf32, #tpu.memory_space<hbm>>) dst(%arg16 : memref<128x128xf32, #tpu.memory_space<vmem>>)
    %add3A_117 = arith.constant 128 : i32
    %add3A_118 = arith.addi %mul3A_2, %add3A_117 : i32
    %dma_start3A_119 = arith.constant 256 : i32
    %dma_start3A_120 = tpu.memref_slice %arg8[%add3A_118, %dma_start3A_119] : memref<8192x512xf32, #tpu.memory_space<hbm>> -> memref<128x128xf32, #tpu.memory_space<hbm>>
    %dma_start3A_121 = arith.constant 256 : i32
    %dma_start3A_122 = tpu.memref_slice %arg8[%add3A_118, %dma_start3A_121] : memref<8192x512xf32, #tpu.memory_space<hbm>> -> memref<128x128xf32, #tpu.memory_space<hbm>>
    tpu.enqueue_dma source(%arg16 : memref<128x128xf32, #tpu.memory_space<vmem>>) target(%dma_start3A_122 : memref<128x128xf32, #tpu.memory_space<hbm>>) target_semaphore(%arg28 : memref<!tpu.dma_semaphore, #tpu.memory_space<semaphore_mem>>)
    %dma_wait3A_123 = arith.constant 0 : i32
    %dma_wait3A_124 = tpu.memref_slice %arg10[%dma_wait3A_123] : memref<256xi32, #tpu.memory_space<vmem>> -> memref<128xi32, #tpu.memory_space<vmem>>
    %dma_wait3A_125 = arith.constant 0 : i32
    %dma_wait3A_126 = arith.constant 0 : i32
    %dma_wait3A_127 = tpu.memref_slice %arg7[%dma_wait3A_125, %dma_wait3A_126] : memref<100000x128xf32, #tpu.memory_space<hbm>> -> memref<100000x128xf32, #tpu.memory_space<hbm>>
    tpu.wait_indirect_dma semaphore(%arg17 : memref<!tpu.dma_semaphore, #tpu.memory_space<semaphore_mem>>) src(%dma_wait3A_127 : memref<100000x128xf32, #tpu.memory_space<hbm>>) dst(%arg11 : memref<128x128xf32, #tpu.memory_space<vmem>>)
    %add3A_128 = arith.constant 0 : i32
    %add3A_129 = arith.addi %mul3A_2, %add3A_128 : i32
    %dma_start3A_130 = arith.constant 384 : i32
    %dma_start3A_131 = tpu.memref_slice %arg8[%add3A_129, %dma_start3A_130] : memref<8192x512xf32, #tpu.memory_space<hbm>> -> memref<128x128xf32, #tpu.memory_space<hbm>>
    %dma_start3A_132 = arith.constant 384 : i32
    %dma_start3A_133 = tpu.memref_slice %arg8[%add3A_129, %dma_start3A_132] : memref<8192x512xf32, #tpu.memory_space<hbm>> -> memref<128x128xf32, #tpu.memory_space<hbm>>
    tpu.enqueue_dma source(%arg11 : memref<128x128xf32, #tpu.memory_space<vmem>>) target(%dma_start3A_133 : memref<128x128xf32, #tpu.memory_space<hbm>>) target_semaphore(%arg23 : memref<!tpu.dma_semaphore, #tpu.memory_space<semaphore_mem>>)
    %dma_wait3A_134 = arith.constant 128 : i32
    %dma_wait3A_135 = tpu.memref_slice %arg10[%dma_wait3A_134] : memref<256xi32, #tpu.memory_space<vmem>> -> memref<128xi32, #tpu.memory_space<vmem>>
    %dma_wait3A_136 = arith.constant 0 : i32
    %dma_wait3A_137 = arith.constant 0 : i32
    %dma_wait3A_138 = tpu.memref_slice %arg7[%dma_wait3A_136, %dma_wait3A_137] : memref<100000x128xf32, #tpu.memory_space<hbm>> -> memref<100000x128xf32, #tpu.memory_space<hbm>>
    tpu.wait_indirect_dma semaphore(%arg18 : memref<!tpu.dma_semaphore, #tpu.memory_space<semaphore_mem>>) src(%dma_wait3A_138 : memref<100000x128xf32, #tpu.memory_space<hbm>>) dst(%arg12 : memref<128x128xf32, #tpu.memory_space<vmem>>)
    %add3A_139 = arith.constant 128 : i32
    %add3A_140 = arith.addi %mul3A_2, %add3A_139 : i32
    %dma_start3A_141 = arith.constant 384 : i32
    %dma_start3A_142 = tpu.memref_slice %arg8[%add3A_140, %dma_start3A_141] : memref<8192x512xf32, #tpu.memory_space<hbm>> -> memref<128x128xf32, #tpu.memory_space<hbm>>
    %dma_start3A_143 = arith.constant 384 : i32
    %dma_start3A_144 = tpu.memref_slice %arg8[%add3A_140, %dma_start3A_143] : memref<8192x512xf32, #tpu.memory_space<hbm>> -> memref<128x128xf32, #tpu.memory_space<hbm>>
    tpu.enqueue_dma source(%arg12 : memref<128x128xf32, #tpu.memory_space<vmem>>) target(%dma_start3A_144 : memref<128x128xf32, #tpu.memory_space<hbm>>) target_semaphore(%arg24 : memref<!tpu.dma_semaphore, #tpu.memory_space<semaphore_mem>>)
    %dma_wait3A_145 = arith.constant 128 : i32
    %dma_wait3A_146 = tpu.memref_slice %arg8[%add3A_85, %dma_wait3A_145] : memref<8192x512xf32, #tpu.memory_space<hbm>> -> memref<128x128xf32, #tpu.memory_space<hbm>>
    %dma_wait3A_147 = arith.constant 128 : i32
    %dma_wait3A_148 = tpu.memref_slice %arg8[%add3A_85, %dma_wait3A_147] : memref<8192x512xf32, #tpu.memory_space<hbm>> -> memref<128x128xf32, #tpu.memory_space<hbm>>
    tpu.wait_dma2 semaphore(%arg25 : memref<!tpu.dma_semaphore, #tpu.memory_space<semaphore_mem>>) src(%arg13 : memref<128x128xf32, #tpu.memory_space<vmem>>) dst(%dma_wait3A_148 : memref<128x128xf32, #tpu.memory_space<hbm>>)
    %dma_wait3A_149 = arith.constant 128 : i32
    %dma_wait3A_150 = tpu.memref_slice %arg8[%add3A_96, %dma_wait3A_149] : memref<8192x512xf32, #tpu.memory_space<hbm>> -> memref<128x128xf32, #tpu.memory_space<hbm>>
    %dma_wait3A_151 = arith.constant 128 : i32
    %dma_wait3A_152 = tpu.memref_slice %arg8[%add3A_96, %dma_wait3A_151] : memref<8192x512xf32, #tpu.memory_space<hbm>> -> memref<128x128xf32, #tpu.memory_space<hbm>>
    tpu.wait_dma2 semaphore(%arg26 : memref<!tpu.dma_semaphore, #tpu.memory_space<semaphore_mem>>) src(%arg14 : memref<128x128xf32, #tpu.memory_space<vmem>>) dst(%dma_wait3A_152 : memref<128x128xf32, #tpu.memory_space<hbm>>)
    %dma_wait3A_153 = arith.constant 256 : i32
    %dma_wait3A_154 = tpu.memref_slice %arg8[%add3A_107, %dma_wait3A_153] : memref<8192x512xf32, #tpu.memory_space<hbm>> -> memref<128x128xf32, #tpu.memory_space<hbm>>
    %dma_wait3A_155 = arith.constant 256 : i32
    %dma_wait3A_156 = tpu.memref_slice %arg8[%add3A_107, %dma_wait3A_155] : memref<8192x512xf32, #tpu.memory_space<hbm>> -> memref<128x128xf32, #tpu.memory_space<hbm>>
    tpu.wait_dma2 semaphore(%arg27 : memref<!tpu.dma_semaphore, #tpu.memory_space<semaphore_mem>>) src(%arg15 : memref<128x128xf32, #tpu.memory_space<vmem>>) dst(%dma_wait3A_156 : memref<128x128xf32, #tpu.memory_space<hbm>>)
    %dma_wait3A_157 = arith.constant 256 : i32
    %dma_wait3A_158 = tpu.memref_slice %arg8[%add3A_118, %dma_wait3A_157] : memref<8192x512xf32, #tpu.memory_space<hbm>> -> memref<128x128xf32, #tpu.memory_space<hbm>>
    %dma_wait3A_159 = arith.constant 256 : i32
    %dma_wait3A_160 = tpu.memref_slice %arg8[%add3A_118, %dma_wait3A_159] : memref<8192x512xf32, #tpu.memory_space<hbm>> -> memref<128x128xf32, #tpu.memory_space<hbm>>
    tpu.wait_dma2 semaphore(%arg28 : memref<!tpu.dma_semaphore, #tpu.memory_space<semaphore_mem>>) src(%arg16 : memref<128x128xf32, #tpu.memory_space<vmem>>) dst(%dma_wait3A_160 : memref<128x128xf32, #tpu.memory_space<hbm>>)
    %dma_wait3A_161 = arith.constant 384 : i32
    %dma_wait3A_162 = tpu.memref_slice %arg8[%add3A_129, %dma_wait3A_161] : memref<8192x512xf32, #tpu.memory_space<hbm>> -> memref<128x128xf32, #tpu.memory_space<hbm>>
    %dma_wait3A_163 = arith.constant 384 : i32
    %dma_wait3A_164 = tpu.memref_slice %arg8[%add3A_129, %dma_wait3A_163] : memref<8192x512xf32, #tpu.memory_space<hbm>> -> memref<128x128xf32, #tpu.memory_space<hbm>>
    tpu.wait_dma2 semaphore(%arg23 : memref<!tpu.dma_semaphore, #tpu.memory_space<semaphore_mem>>) src(%arg11 : memref<128x128xf32, #tpu.memory_space<vmem>>) dst(%dma_wait3A_164 : memref<128x128xf32, #tpu.memory_space<hbm>>)
    %dma_wait3A_165 = arith.constant 384 : i32
    %dma_wait3A_166 = tpu.memref_slice %arg8[%add3A_140, %dma_wait3A_165] : memref<8192x512xf32, #tpu.memory_space<hbm>> -> memref<128x128xf32, #tpu.memory_space<hbm>>
    %dma_wait3A_167 = arith.constant 384 : i32
    %dma_wait3A_168 = tpu.memref_slice %arg8[%add3A_140, %dma_wait3A_167] : memref<8192x512xf32, #tpu.memory_space<hbm>> -> memref<128x128xf32, #tpu.memory_space<hbm>>
    tpu.wait_dma2 semaphore(%arg24 : memref<!tpu.dma_semaphore, #tpu.memory_space<semaphore_mem>>) src(%arg12 : memref<128x128xf32, #tpu.memory_space<vmem>>) dst(%dma_wait3A_168 : memref<128x128xf32, #tpu.memory_space<hbm>>)
    return
  }
}

module attributes {stable_mosaic.version = 14 : i64} {
  func.func @_dense_body(%arg0: i32, %arg1: memref<4096x512xf32, #tpu.memory_space<vmem>>, %arg2: memref<512x128xbf16, #tpu.memory_space<vmem>>, %arg3: memref<512x128xbf16, #tpu.memory_space<vmem>>, %arg4: memref<1x128xf32, #tpu.memory_space<vmem>>, %arg5: memref<1x128xf32, #tpu.memory_space<vmem>>, %arg6: memref<1x128xf32, #tpu.memory_space<vmem>>, %arg7: memref<1x128xf32, #tpu.memory_space<vmem>>, %arg8: memref<1x128xf32, #tpu.memory_space<vmem>>, %arg9: memref<128x1xbf16, #tpu.memory_space<vmem>>, %arg10: memref<128x1xbf16, #tpu.memory_space<vmem>>, %arg11: memref<1x1xf32, #tpu.memory_space<smem>>, %arg12: memref<4096x1xf32, #tpu.memory_space<vmem>>) attributes {dimension_semantics = [#tpu.dimension_semantics<arbitrary>], iteration_bounds = array<i64: 2>, scalar_prefetch = 0 : i64, scratch_operands = 0 : i64, tpu.core_type = #tpu.core_type<tc>, window_params = [{transform_indices = @transform_0, window_bounds = array<i64: 4096, 512>}, {pipeline_mode = #tpu.pipeline_mode<synchronous>, transform_indices = @transform_1, window_bounds = array<i64: 512, 128>}, {pipeline_mode = #tpu.pipeline_mode<synchronous>, transform_indices = @transform_2, window_bounds = array<i64: 512, 128>}, {pipeline_mode = #tpu.pipeline_mode<synchronous>, transform_indices = @transform_3, window_bounds = array<i64: 1, 128>}, {pipeline_mode = #tpu.pipeline_mode<synchronous>, transform_indices = @transform_4, window_bounds = array<i64: 1, 128>}, {pipeline_mode = #tpu.pipeline_mode<synchronous>, transform_indices = @transform_5, window_bounds = array<i64: 1, 128>}, {pipeline_mode = #tpu.pipeline_mode<synchronous>, transform_indices = @transform_6, window_bounds = array<i64: 1, 128>}, {pipeline_mode = #tpu.pipeline_mode<synchronous>, transform_indices = @transform_7, window_bounds = array<i64: 1, 128>}, {pipeline_mode = #tpu.pipeline_mode<synchronous>, transform_indices = @transform_8, window_bounds = array<i64: 128, 1>}, {pipeline_mode = #tpu.pipeline_mode<synchronous>, transform_indices = @transform_9, window_bounds = array<i64: 128, 1>}, {transform_indices = @transform_10, window_bounds = array<i64: 1, 1>}, {transform_indices = @transform_11, window_bounds = array<i64: 4096, 1>}]} {
    %get3A = arith.constant 0 : index
    %get3A_0 = arith.constant 0 : index
    %get3A_1 = vector.load %arg1[%get3A, %get3A_0] : memref<4096x512xf32, #tpu.memory_space<vmem>>, vector<4096x512xf32>
    %convert_element_type3A = arith.truncf %get3A_1 : vector<4096x512xf32> to vector<4096x512xbf16>
    %convert_element_type3A_2 = arith.extf %convert_element_type3A : vector<4096x512xbf16> to vector<4096x512xf32>
    %sub3A = arith.subf %get3A_1, %convert_element_type3A_2 : vector<4096x512xf32>
    %convert_element_type3A_3 = arith.truncf %sub3A : vector<4096x512xf32> to vector<4096x512xbf16>
    %get3A_4 = arith.constant 0 : index
    %get3A_5 = arith.constant 0 : index
    %get3A_6 = vector.load %arg2[%get3A_4, %get3A_5] : memref<512x128xbf16, #tpu.memory_space<vmem>>, vector<512x128xbf16>
    %dot_general3A = arith.constant dense<0.000000e+00> : vector<4096x128xf32>
    %dot_general3A_7 = tpu.matmul %convert_element_type3A, %get3A_6, %dot_general3A {dimension_numbers = #tpu.dot_dimension_numbers<[1], [0], [0], [1], [0, 0, 1, 1], [], []>, transpose_lhs_hint = false} : vector<4096x512xbf16>, vector<512x128xbf16>, vector<4096x128xf32> -> vector<4096x128xf32>
    %get3A_8 = arith.constant 0 : index
    %get3A_9 = arith.constant 0 : index
    %get3A_10 = vector.load %arg3[%get3A_8, %get3A_9] : memref<512x128xbf16, #tpu.memory_space<vmem>>, vector<512x128xbf16>
    %dot_general3A_11 = arith.constant dense<0.000000e+00> : vector<4096x128xf32>
    %dot_general3A_12 = tpu.matmul %convert_element_type3A, %get3A_10, %dot_general3A_11 {dimension_numbers = #tpu.dot_dimension_numbers<[1], [0], [0], [1], [0, 0, 1, 1], [], []>, transpose_lhs_hint = false} : vector<4096x512xbf16>, vector<512x128xbf16>, vector<4096x128xf32> -> vector<4096x128xf32>
    %add3A = arith.addf %dot_general3A_7, %dot_general3A_12 : vector<4096x128xf32>
    %get3A_13 = arith.constant 0 : index
    %get3A_14 = arith.constant 0 : index
    %get3A_15 = vector.load %arg2[%get3A_13, %get3A_14] : memref<512x128xbf16, #tpu.memory_space<vmem>>, vector<512x128xbf16>
    %dot_general3A_16 = arith.constant dense<0.000000e+00> : vector<4096x128xf32>
    %dot_general3A_17 = tpu.matmul %convert_element_type3A_3, %get3A_15, %dot_general3A_16 {dimension_numbers = #tpu.dot_dimension_numbers<[1], [0], [0], [1], [0, 0, 1, 1], [], []>, transpose_lhs_hint = false} : vector<4096x512xbf16>, vector<512x128xbf16>, vector<4096x128xf32> -> vector<4096x128xf32>
    %add3A_18 = arith.addf %add3A, %dot_general3A_17 : vector<4096x128xf32>
    %get3A_19 = arith.constant 0 : index
    %get3A_20 = arith.constant 0 : index
    %get3A_21 = vector.load %arg4[%get3A_19, %get3A_20] : memref<1x128xf32, #tpu.memory_space<vmem>>, vector<1x128xf32>
    %ge3A = vector.broadcast %get3A_21 : vector<1x128xf32> to vector<4096x128xf32>
    %ge3A_22 = arith.cmpf oge, %add3A_18, %ge3A : vector<4096x128xf32>
    %get3A_23 = arith.constant 0 : index
    %get3A_24 = arith.constant 0 : index
    %get3A_25 = vector.load %arg5[%get3A_23, %get3A_24] : memref<1x128xf32, #tpu.memory_space<vmem>>, vector<1x128xf32>
    %mul3A = vector.broadcast %get3A_25 : vector<1x128xf32> to vector<4096x128xf32>
    %mul3A_26 = arith.mulf %add3A_18, %mul3A : vector<4096x128xf32>
    %get3A_27 = arith.constant 0 : index
    %get3A_28 = arith.constant 0 : index
    %get3A_29 = vector.load %arg7[%get3A_27, %get3A_28] : memref<1x128xf32, #tpu.memory_space<vmem>>, vector<1x128xf32>
    %add3A_30 = vector.broadcast %get3A_29 : vector<1x128xf32> to vector<4096x128xf32>
    %add3A_31 = arith.addf %mul3A_26, %add3A_30 : vector<4096x128xf32>
    %get3A_32 = arith.constant 0 : index
    %get3A_33 = arith.constant 0 : index
    %get3A_34 = vector.load %arg6[%get3A_32, %get3A_33] : memref<1x128xf32, #tpu.memory_space<vmem>>, vector<1x128xf32>
    %mul3A_35 = vector.broadcast %get3A_34 : vector<1x128xf32> to vector<4096x128xf32>
    %mul3A_36 = arith.mulf %add3A_18, %mul3A_35 : vector<4096x128xf32>
    %get3A_37 = arith.constant 0 : index
    %get3A_38 = arith.constant 0 : index
    %get3A_39 = vector.load %arg8[%get3A_37, %get3A_38] : memref<1x128xf32, #tpu.memory_space<vmem>>, vector<1x128xf32>
    %add3A_40 = vector.broadcast %get3A_39 : vector<1x128xf32> to vector<4096x128xf32>
    %add3A_41 = arith.addf %mul3A_36, %add3A_40 : vector<4096x128xf32>
    %select_n3A = arith.select %ge3A_22, %add3A_31, %add3A_41 : vector<4096x128xi1>, vector<4096x128xf32>
    %roll3A = arith.constant 96 : i32
    %roll3A_42 = tpu.dynamic_rotate %select_n3A by %roll3A dim 1 : vector<4096x128xf32>, i32 -> vector<4096x128xf32>
    %iota3A = tpu.iota {dimensions = array<i32: 1>} : vector<4096x128xi32>
    %lt3A = arith.constant 32 : i32
    %lt3A_43 = vector.broadcast %lt3A : i32 to vector<4096x128xi32>
    %lt3A_44 = arith.cmpi slt, %iota3A, %lt3A_43 : vector<4096x128xi32>
    %mul3A_45 = arith.mulf %select_n3A, %roll3A_42 : vector<4096x128xf32>
    %select_n3A_46 = arith.select %lt3A_44, %mul3A_45, %select_n3A : vector<4096x128xi1>, vector<4096x128xf32>
    %convert_element_type3A_47 = arith.truncf %select_n3A_46 : vector<4096x128xf32> to vector<4096x128xbf16>
    %convert_element_type3A_48 = arith.extf %convert_element_type3A_47 : vector<4096x128xbf16> to vector<4096x128xf32>
    %sub3A_49 = arith.subf %select_n3A_46, %convert_element_type3A_48 : vector<4096x128xf32>
    %convert_element_type3A_50 = arith.truncf %sub3A_49 : vector<4096x128xf32> to vector<4096x128xbf16>
    %get3A_51 = arith.constant 0 : index
    %get3A_52 = arith.constant 0 : index
    %get3A_53 = vector.load %arg9[%get3A_51, %get3A_52] : memref<128x1xbf16, #tpu.memory_space<vmem>>, vector<128x1xbf16>
    %dot_general3A_54 = arith.constant dense<0.000000e+00> : vector<4096x1xf32>
    %dot_general3A_55 = tpu.matmul %convert_element_type3A_47, %get3A_53, %dot_general3A_54 {dimension_numbers = #tpu.dot_dimension_numbers<[1], [0], [0], [1], [0, 0, 1, 1], [], []>, transpose_lhs_hint = false} : vector<4096x128xbf16>, vector<128x1xbf16>, vector<4096x1xf32> -> vector<4096x1xf32>
    %get3A_56 = arith.constant 0 : index
    %get3A_57 = arith.constant 0 : index
    %get3A_58 = vector.load %arg10[%get3A_56, %get3A_57] : memref<128x1xbf16, #tpu.memory_space<vmem>>, vector<128x1xbf16>
    %dot_general3A_59 = arith.constant dense<0.000000e+00> : vector<4096x1xf32>
    %dot_general3A_60 = tpu.matmul %convert_element_type3A_47, %get3A_58, %dot_general3A_59 {dimension_numbers = #tpu.dot_dimension_numbers<[1], [0], [0], [1], [0, 0, 1, 1], [], []>, transpose_lhs_hint = false} : vector<4096x128xbf16>, vector<128x1xbf16>, vector<4096x1xf32> -> vector<4096x1xf32>
    %add3A_61 = arith.addf %dot_general3A_55, %dot_general3A_60 : vector<4096x1xf32>
    %get3A_62 = arith.constant 0 : index
    %get3A_63 = arith.constant 0 : index
    %get3A_64 = vector.load %arg9[%get3A_62, %get3A_63] : memref<128x1xbf16, #tpu.memory_space<vmem>>, vector<128x1xbf16>
    %dot_general3A_65 = arith.constant dense<0.000000e+00> : vector<4096x1xf32>
    %dot_general3A_66 = tpu.matmul %convert_element_type3A_50, %get3A_64, %dot_general3A_65 {dimension_numbers = #tpu.dot_dimension_numbers<[1], [0], [0], [1], [0, 0, 1, 1], [], []>, transpose_lhs_hint = false} : vector<4096x128xbf16>, vector<128x1xbf16>, vector<4096x1xf32> -> vector<4096x1xf32>
    %add3A_67 = arith.addf %add3A_61, %dot_general3A_66 : vector<4096x1xf32>
    %get3A_68 = arith.constant 0 : index
    %get3A_69 = arith.constant 0 : index
    %get3A_70 = memref.load %arg11[%get3A_68, %get3A_69] : memref<1x1xf32, #tpu.memory_space<smem>>
    %add3A_71 = vector.broadcast %get3A_70 : f32 to vector<4096x1xf32>
    %add3A_72 = arith.addf %add3A_67, %add3A_71 : vector<4096x1xf32>
    %swap3A = arith.constant 0 : index
    %swap3A_73 = arith.constant 0 : index
    %swap3A_74 = vector.load %arg12[%swap3A, %swap3A_73] : memref<4096x1xf32, #tpu.memory_space<vmem>>, vector<4096x1xf32>
    tpu.vector_store %arg12[%swap3A, %swap3A_73], %add3A_72 {strides = array<i32>} : memref<4096x1xf32, #tpu.memory_space<vmem>>, vector<4096x1xf32>,
    return
  }
  func.func @transform_0(%arg0: i32) -> (i32, i32) {
    %c0_i32 = arith.constant 0 : i32
    %c0_i32_0 = arith.constant 0 : i32
    return %arg0, %c0_i32 : i32, i32
  }
  func.func @transform_1(%arg0: i32) -> (i32, i32) {
    %c0_i32 = arith.constant 0 : i32
    %c0_i32_0 = arith.constant 0 : i32
    %c0_i32_1 = arith.constant 0 : i32
    return %c0_i32, %c0_i32_0 : i32, i32
  }
  func.func @transform_2(%arg0: i32) -> (i32, i32) {
    %c0_i32 = arith.constant 0 : i32
    %c0_i32_0 = arith.constant 0 : i32
    %c0_i32_1 = arith.constant 0 : i32
    return %c0_i32, %c0_i32_0 : i32, i32
  }
  func.func @transform_3(%arg0: i32) -> (i32, i32) {
    %c0_i32 = arith.constant 0 : i32
    %c0_i32_0 = arith.constant 0 : i32
    %c0_i32_1 = arith.constant 0 : i32
    return %c0_i32, %c0_i32_0 : i32, i32
  }
  func.func @transform_4(%arg0: i32) -> (i32, i32) {
    %c0_i32 = arith.constant 0 : i32
    %c0_i32_0 = arith.constant 0 : i32
    %c0_i32_1 = arith.constant 0 : i32
    return %c0_i32, %c0_i32_0 : i32, i32
  }
  func.func @transform_5(%arg0: i32) -> (i32, i32) {
    %c0_i32 = arith.constant 0 : i32
    %c0_i32_0 = arith.constant 0 : i32
    %c0_i32_1 = arith.constant 0 : i32
    return %c0_i32, %c0_i32_0 : i32, i32
  }
  func.func @transform_6(%arg0: i32) -> (i32, i32) {
    %c0_i32 = arith.constant 0 : i32
    %c0_i32_0 = arith.constant 0 : i32
    %c0_i32_1 = arith.constant 0 : i32
    return %c0_i32, %c0_i32_0 : i32, i32
  }
  func.func @transform_7(%arg0: i32) -> (i32, i32) {
    %c0_i32 = arith.constant 0 : i32
    %c0_i32_0 = arith.constant 0 : i32
    %c0_i32_1 = arith.constant 0 : i32
    return %c0_i32, %c0_i32_0 : i32, i32
  }
  func.func @transform_8(%arg0: i32) -> (i32, i32) {
    %c0_i32 = arith.constant 0 : i32
    %c0_i32_0 = arith.constant 0 : i32
    %c0_i32_1 = arith.constant 0 : i32
    return %c0_i32, %c0_i32_0 : i32, i32
  }
  func.func @transform_9(%arg0: i32) -> (i32, i32) {
    %c0_i32 = arith.constant 0 : i32
    %c0_i32_0 = arith.constant 0 : i32
    %c0_i32_1 = arith.constant 0 : i32
    return %c0_i32, %c0_i32_0 : i32, i32
  }
  func.func @transform_10(%arg0: i32) -> (i32, i32) {
    %c0_i32 = arith.constant 0 : i32
    %c0_i32_0 = arith.constant 0 : i32
    %c0_i32_1 = arith.constant 0 : i32
    return %c0_i32, %c0_i32_0 : i32, i32
  }
  func.func @transform_11(%arg0: i32) -> (i32, i32) {
    %c0_i32 = arith.constant 0 : i32
    %c0_i32_0 = arith.constant 0 : i32
    return %arg0, %c0_i32 : i32, i32
  }
}

</mosaic_0001>

<sc_bundles>
// kernel: kernel.6.cloned.1.call-start
scs
__scs_entry_jumppad:
0x0: {  	(pc) =	sbr.rel $0x88, $3  }
0x1: {  	(tag) =	ssettag $0x0;
	lr =	simm.s32 $0x1  }
0x2: {  	[smem:$0x3F92] =	sst lr;
	_ =	strace $0xD0000000  }
0x3: {  	_ = 	snop  }
0x4: {  	_ = 	snop  }
0x5: {  	_ = 	snop  }
0x6: {  	_ = 	snop  }
0x7: {  	_ = 	snop  }
__scs_overlays_trampoline_lowered:
0x8: {  	[smem:$0x3FA1] =	sst s0  }
0x9: {  	[smem:$0x3FA2] =	sst s1  }
0xa: {  	[smem:$0x3FA3] =	sst s2  }
0xb: {  	[smem:$0x3FA4] =	sst s3  }
0xc: {  	[smem:$0x3FA5] =	sst s4  }
0xd: {  	[smem:$0x3FA6] =	sst s5  }
0xe: {  	[smem:$0x3FA7] =	sst s6  }
0xf: {  	[smem:$0x3FA8] =	sst s7  }
0x10: {  	[smem:$0x3FA9] =	sst s8  }
0x11: {  	[smem:$0x3FAA] =	sst s9;
	s0 =	simm.s32 @!p0 $0x0  }
0x12: {  	s1 =	sld [smem:$0x3F90];
	s0 =	simm.s32 @p0 $0x1  }
0x13: {  	[smem:$0x3FAB] =	sst s0;
	s0 =	simm.s32 @!p1 $0x0  }
0x14: {  	s2 =	sld [smem:$0x3F8F];
	s0 =	simm.s32 @p1 $0x1  }
0x15: {  	[smem:$0x3FAC] =	sst s0;
	s0 =	simm.s32 @!p2 $0x0  }
0x16: {  	s3 =	sld [smem:$0x3FDB];
	s0 =	simm.s32 @p2 $0x1  }
0x17: {  	s4 =	simm.s32 $0x1BF5;
	[smem:$0x3FAE] =	sst s0  }
0x18: {  	s0 =	sld [smem:$0x3F91];
	_ =	swait.ge [sflag:s4], $0x0  }
0x19: {  	s7 =	sld [smem:$0x3F92]  }
0x1a: {  	s8 =	sadd.s32 $0xFFFFE003, lr  }
0x1b: {  	s9 =	sadd.s32 $0xFFFFFEF7, lr;
	s5 =	simm.s32 $0xFFFFFFFF;
	p2 =	slt.u32 s8, $0xFFFFF086  }
0x1c: {  	p1 =	slt.u32 s9, $0xF7A;
	s5 =	simm.s32 @!p2 $0x0  }
0x1d: {  	s5 =	simm.s32 @p1 $0x1;
	p0 =	seq.s32 s7, s2  }
0x1e: {  	s7 =	smul.u32 @!p0 $0xF7A, s2;
	p2 =	seq.s32 @!p0 s5, $0x0  }
0x1f: {  	s9 =	smul.u32 $0xF7A, s1;
	s8 =	simm.s32 @!p0 $0x1BF5;
	p2 =	por !p2, p0  }
0x20: {  	[sflag:s8] =	ssyncset.s32 @!p0 $0xFFFFF086;
	s6 =	sadd.s32 @!p0 s3, s7;
	s7 =	simm.s32 @!p0 $0x108  }
0x21: {  	s3 =	sadd.s32 s3, s9;
	s6 =	sadd.s32 @!p0 $0x88, s6;
	s7 =	simm.s32 @p2 $0x1082  }
0x22: {  	[simem:s7], [sflag:s8] =	dma.local @!p0 [hbm:s6], $0xF7A  }
0x23: {  	s9 =	sor.u32 $0xD0000000, s2;
	s6 =	simm.s32 $0x108;
	_ =	swait.ge @!p0 [sflag:s8], $0x0  }
0x24: {  	s3 =	sadd.s32 $0x88, s3;
	s6 =	simm.s32 @!p1 $0x1082;
	[sflag:s4] =	ssyncset.s32 $0xFFFFF086  }
0x25: {  	[simem:s6], [sflag:s4] =	dma.local [hbm:s3], $0xF7A  }
0x26: {  	[smem:$0x3F92] =	sst s1;
	(tag) =	ssettag s2;
	_ =	strace s9  }
0x27: {  	s1 =	sld [smem:$0x3FA2]  }
0x28: {  	s2 =	sld [smem:$0x3FA3]  }
0x29: {  	s4 =	sld [smem:$0x3FA5]  }
0x2a: {  	p0 =	seq.s32 s5, $0x0;
	s5 =	sld [smem:$0x3FA6]  }
0x2b: {  	s6 =	sld [smem:$0x3FA7]  }
0x2c: {  	s7 =	sld [smem:$0x3FA8]  }
0x2d: {  	s3 =	simm.s32 $0x108;
	s8 =	sld [smem:$0x3FA9]  }
0x2e: {  	s3 =	simm.s32 @!p0 $0x1082;
	s9 =	sld [smem:$0x3FAA]  }
0x2f: {  	lr =	sadd.s32 s0, s3;
	s0 =	sld [smem:$0x3FA1]  }
0x30: {  	s3 =	sld [smem:$0x3FA4]  }
0x31: {  	[smem:$0x3FAD] =	sst s10  }
0x32: {  	s10 =	sld [smem:$0x3FAB];
	_ =	sdelay $0x3  }
0x33: {  	p0 =	seq.s32 s10, $0x1;
	s10 =	sld [smem:$0x3FAD];
	_ =	sdelay $0x3  }
0x34: {  	[smem:$0x3FAD] =	sst s10  }
0x35: {  	s10 =	sld [smem:$0x3FAC];
	_ =	sdelay $0x3  }
0x36: {  	p1 =	seq.s32 s10, $0x1;
	s10 =	sld [smem:$0x3FAD];
	_ =	sdelay $0x3  }
0x37: {  	[smem:$0x3FAD] =	sst s10  }
0x38: {  	s10 =	sld [smem:$0x3FAE]  }
0x39: {  	_ = 	snop;
	(pc) =	sbr.ind lr, $3  }
0x3a: {  	_ = 	snop  }
0x3b: {  	_ = 	snop  }
0x3c: {  	p2 =	seq.s32 s10, $0x1;
	s10 =	sld [smem:$0x3FAD]  }
0x3d: {  	_ =	shalt  }
0x3e: {  	_ =	shalt  }
0x3f: {  	_ =	shalt  }
0x40: {  	_ =	shalt  }
0x41: {  	_ =	shalt  }
0x42: {  	_ =	shalt  }
0x43: {  	_ =	shalt  }
0x44: {  	_ =	shalt  }
0x45: {  	_ =	shalt  }
0x46: {  	_ =	shalt  }
0x47: {  	_ =	shalt  }
0x48: {  	_ =	shalt  }
0x49: {  	_ =	shalt  }
0x4a: {  	_ =	shalt  }
0x4b: {  	_ =	shalt  }
0x4c: {  	_ =	shalt  }
0x4d: {  	_ =	shalt  }
0x4e: {  	_ =	shalt  }
0x4f: {  	_ =	shalt  }
0x50: {  	_ =	shalt  }
0x51: {  	_ =	shalt  }
0x52: {  	_ =	shalt  }
0x53: {  	_ =	shalt  }
0x54: {  	_ =	shalt  }
0x55: {  	_ =	shalt  }
0x56: {  	_ =	shalt  }
0x57: {  	_ =	shalt  }
0x58: {  	_ =	shalt  }
0x59: {  	_ =	shalt  }
0x5a: {  	_ =	shalt  }
0x5b: {  	_ =	shalt  }
0x5c: {  	_ =	shalt  }
0x5d: {  	_ =	shalt  }
0x5e: {  	_ =	shalt  }
0x5f: {  	_ =	shalt  }
0x60: {  	_ =	shalt  }
0x61: {  	_ =	shalt  }
0x62: {  	_ =	shalt  }
0x63: {  	_ =	shalt  }
0x64: {  	_ =	shalt  }
0x65: {  	_ =	shalt  }
0x66: {  	_ =	shalt  }
0x67: {  	_ =	shalt  }
0x68: {  	_ =	shalt  }
0x69: {  	_ =	shalt  }
0x6a: {  	_ =	shalt  }
0x6b: {  	_ =	shalt  }
0x6c: {  	_ =	shalt  }
0x6d: {  	_ =	shalt  }
0x6e: {  	_ =	shalt  }
0x6f: {  	_ =	shalt  }
0x70: {  	_ =	shalt  }
0x71: {  	_ =	shalt  }
0x72: {  	_ =	shalt  }
0x73: {  	_ =	shalt  }
0x74: {  	_ =	shalt  }
0x75: {  	_ =	shalt  }
0x76: {  	_ =	shalt  }
0x77: {  	_ =	shalt  }
0x78: {  	_ =	shalt  }
0x79: {  	_ =	shalt  }
0x7a: {  	_ =	shalt  }
0x7b: {  	_ =	shalt  }
0x7c: {  	_ =	shalt  }
0x7d: {  	_ =	shalt  }
0x7e: {  	_ =	shalt  }
0x7f: {  	_ =	shalt  }
0x80: {  	_ =	shalt  }
0x81: {  	_ =	shalt  }
0x82: {  	_ =	shalt  }
0x83: {  	_ =	shalt  }
0x84: {  	_ =	shalt  }
0x85: {  	_ =	shalt  }
0x86: {  	_ =	shalt  }
0x87: {  	_ =	shalt  }
.Lfunc_end0:
.L_simem_size_0:
called_computation_lowered:
.L_overlay_start_0:
0x88: {  	s2 =	sld [smem:$0x3FD9]  }
0x89: {  	s3 =	sld [smem:$0x3FFE];
	_ =	sdelay $0x1  }
0x8a: {  	s1 =	srdreg.scid  }
0x8b: {  	s0 =	sand.u32 $0x1, s1  }
0x8c: {  	s17 =	sshll.u32 s0, $0xA;
	s2 =	sadd.s32 s3, s2  }
0x8d: {  	s2 =	sadd.s32 s2, s17  }
0x8e: {  	[smem:$0x3FB9] =	sst s2  }
0x8f: {  	_ = 	snop  }
0x90: {  	s2 =	sld [smem:$0x3FC7]  }
0x91: {  	s18 =	sld [smem:$0x3FC6]  }
0x92: {  	s4 =	sld [smem:$0x3FC5]  }
0x93: {  	s5 =	sld [smem:$0x3FC4];
	(tm) =	ssettm $0x1  }
0x94: {  	s6 =	sld [smem:$0x3FFB];
	_ =	sdelay $0x3  }
0x95: {  	_ =	strace s6  }
0x96: {  	s6 =	sld [smem:$0x3FFC];
	_ =	sdelay $0x3  }
0x97: {  	_ =	strace s6  }
0x98: {  	s6 =	sld [smem:$0x3FFD];
	_ =	sdelay $0x3  }
0x99: {  	_ =	strace s6  }
0x9a: {  	_ =	strace $0x8FFFFFFF  }
0x9b: {  	s19 =	sld [smem:$0x3FDB];
	_ =	sdelay $0x1  }
0x9c: {  	s7 =	simm.s32 $_scs_section_size  }
0x9d: {  	s8 =	simm.s32 $_size__tile_overlayer_lowered;
	s9 =	simm.s32 $_tile_overlayer_lowered  }
0x9e: {  	s22 =	simm.s32 $0x1BFF;
	s21 =	sshll.u32 s9, $0x1;
	s6 =	sadd.s32 s7, s19  }
0x9f: {  	s10 =	simm.s32 $0x0;
	s20 =	sshll.u32 s8, $0x1;
	s8 =	sadd.s32 s21, s6  }
0xa0: {  	[timem:s10], [sflag:s22] =	dma.local [hbm:s8], s20  }
0xa1: {  	_ =	swait.ge [sflag:s22], s20  }
0xa2: {  	s7 =	ssub.s32 $0x0, s20;
	[sflag:s22] =	ssyncset.done $0x0  }
0xa3: {  	[sflag:s22] =	ssyncadd.s32 s7;
	_ =	sdelay $0x1  }
0xa4: {  	s23 =	simm.s32 $0x1B8B  }
0xa5: {  	_ =	swait.ge [sflag:s23], $0x1  }
0xa6: {  	[sflag:s23] =	ssyncset.done $0x0  }
0xa7: {  	s25 =	simm.s32 $0x1B8E;
	s24 =	sld [smem:$0x3FFE];
	[sflag:s23] =	ssyncadd.s32 $0xFFFFFFFF  }
0xa8: {  	s26 =	simm.s32 $execute0_lowered;
	[smem:$0x3FD2] =	sst s25  }
0xa9: {  	s8 =	sshll.u32 s26, $0x1;
	_ =	strace $0x80000046;
	[dreg:$0x1] =	wrdreg $0xFFFFFFFF  }
0xaa: {  	s28 =	simm.s32 $_size_execute0_lowered;
	s6 =	sadd.s32 s6, s8;
	[dreg:$0x0] =	wrdreg $0x0  }
0xab: {  	s8 =	sshll.u32 s28, $0x1;
	[dreg:$0x2] =	wrdreg s6  }
0xac: {  	[dreg:$0x3] =	wrdreg s8  }
0xad: {  	[dreg:$0x4] =	wrdreg $0xC0  }
0xae: {  	_ =	task [dreg:s10], $0x5FFFF  }
0xaf: {  	[dreg:$0x1] =	wrdreg $0xFFFFFFFF  }
0xb0: {  	[dreg:$0x0] =	wrdreg $0x60  }
0xb1: {  	[dreg:$0x2] =	wrdreg s24  }
0xb2: {  	[dreg:$0x3] =	wrdreg s2  }
0xb3: {  	[dreg:$0x4] =	wrdreg s18  }
0xb4: {  	[dreg:$0x5] =	wrdreg s4  }
0xb5: {  	[dreg:$0x6] =	wrdreg s5  }
0xb6: {  	[dreg:$0x7] =	wrdreg $0x9  }
0xb7: {  	_ =	task.clear_ibuf [dreg:s10], $0x8FFFF;
	_ =	strace $0x90000046  }
0xb8: {  	s29 =	simm.s32 $0x9;
	_ =	strace $0x80000048  }
0xb9: {  	_ =	swait.ge [sflag:s29], $0x1  }
0xba: {  	[sflag:s29] =	ssyncadd.s32 $0xFFFFFFFF  }
0xbb: {  	_ =	strace $0x90000048  }
0xbc: {  	_ =	sfence  }
0xbd: {  	s30 =	sld [smem:$0x0];
	_ =	sdelay $0x2  }
0xbe: {  	s31 =	sshll.u32 s1, $0xD;
	s1 =	sshrl.u32 s1, $0x2  }
0xbf: {  	s3 =	sand.u32 $0x4000, s31;
	s1 =	sadd.s32 s1, s30  }
0xc0: {  	s0 =	sor.u32 s3, s0;
	s1 =	sshll.u32 s1, $0x11  }
0xc1: {  	s0 =	sor.u32 s1, s0  }
0xc2: {  	s0 =	sadd.s32 $0x8F2B, s0  }
0xc3: {  	[sflag:s0] =	ssyncadd.remote.s32 $0x1  }
0xc4: {  	_ =	sfence.sel $0xFFFF  }
0xc5: {  	[dreg:$0x0] =	wrdreg $0xFFFFFFFF;
	(pc) =	sbr.abs _section_cstart, $3  }
0xc6: {  	[dreg:$0x1] =	wrdreg $0xFFFFFFFF  }
0xc7: {  	_ =	task.clear_ibuf [dreg:s10], $0x2FFFF;
	_ =	strace $0x9FFFFFFF  }
0xc8: {  	(tm) =	ssettm $0x7FFFFFFF  }
0xc9: {  	_ =	shalt  }
tec
execute0_lowered:
.L_overlay_start_1:
0x0: {  	(tag) =	ssettag $0x1  }
0x1: {  	s0 =	rddreg [dreg:$0x0]  }
0x2: {  	s1 =	srdreg.scid;
	s12 =	rddreg [dreg:$0x2]  }
0x3: {  	s2 =	stileid.u32;
	s19 =	rddreg [dreg:$0x3]  }
0x4: {  	s4 =	rddreg [dreg:$0x4];
	s18 =	simm.s32 $0x0;
	s30 =	simm.s32 $0x100  }
0x5: {  	s8 =	simm.s32 $0x1;
	s9 =	simm.s32 $0x200;
	s7 =	simm.s32 $0x4200  }
0x6: {  	s28 =	simm.s32 $0x8200;
	s11 =	simm.s32 $0x180;
	s13 =	simm.s32 $0x400  }
0x7: {  	s14 =	simm.s32 $0x1000;
	s31 =	simm.s32 $0x3;
	s1 =	sand.u32 $0x1, s1  }
0x8: {  	s29 =	simm.s32 $0x4;
	s3 =	sshll.u32 s2, $0x9;
	s5 =	sshll.u32 s1, $0x8  }
0x9: {  	p0 =	por $0x0, $0x0;
	[smem:$0x7FF] =	sst s18;
	s3 =	sor.u32 s5, s3  }
0xa: {  	_ =	strace $0x80000047;
	s1 =	ssub.s32 $0x2, s1;
	s5 =	sshrl.u32 s3, $0x3  }
0xb: {  	s23 =	sshrl.u32 s1, $0x1;
	s3 =	sshll.u32 s3, $0x6;
	s6 =	sadd.s32 s5, s0  }
0xc: {  	s1 =	ssub.s32 s1, s23;
	s23 =	simm.s32 $0xC200;
	s5 =	sadd.s32 $0x2E00, s6  }
0xd: {  	s0 =	sadd.s32 s3, s0;
	s15 =	sadd.s32 $0x3200, s6;
	[dreg:$0x6] =	wrdreg s5  }
0xe: {  	s26 =	smax.u32 s1, $0x1;
	s16 =	sadd.s32 $0x3600, s0;
	[dreg:$0x7] =	wrdreg s15  }
0xf: {  	s3 =	simm.s32 $0x8;
	s17 =	sadd.s32 $0x5600, s0;
	[dreg:$0x8] =	wrdreg s16  }
0x10: {  	s20 =	sadd.s32 $0x3680, s0;
	s21 =	sadd.s32 $0x5680, s0;
	[dreg:$0x9] =	wrdreg s17  }
0x11: {  	s22 =	sadd.s32 $0x3700, s0;
	s24 =	sadd.s32 $0x5700, s0;
	[dreg:$0xa] =	wrdreg s20  }
0x12: {  	s25 =	sadd.s32 $0x3780, s0;
	s10 =	sadd.s32 $0x5780, s0;
	[dreg:$0xb] =	wrdreg s21  }
0x13: {  	s6 =	simm.s32 $0x2;
	p1 =	sne.s32 s26, $0x1;
	[dreg:$0xc] =	wrdreg s22  }
.Ltmp0:
0x14: {  	s1 =	sadd.s32 $0xFFFFFFFF, s26;
	[dreg:$0xd] =	wrdreg s24;
	(pc) =	sbr.rel @!p1 .LBB2_1-.Ltmp0, $4  }
0x15: {  	s26 =	simm.s32 $0x5;
	[dreg:$0xe] =	wrdreg s25;
	s25 =	simm.s32 $0x80  }
0x16: {  	s22 =	simm.s32 $0x10200;
	s21 =	simm.s32 $0x14200;
	s5 =	simm.s32 $0x7  }
0x17: {  	s24 =	simm.s32 $0x6;
	s20 =	simm.s32 $0x9;
	s17 =	simm.s32 $0xA  }
0x18: {  	s16 =	simm.s32 $0xB;
	s15 =	simm.s32 $0xC;
	s0 =	rddreg [dreg:$0x6]  }
0x19: {  	[tilespmem:s18], [sflag:$0x1] =	stream.linear.gather [hbm4b:s0+s18], $0x100, $0x38;
	[tilespmem:$0x18200] =	vst v63  }
0x1a: {  	s2 =	smov.u32 s1;
	s1 =	rddreg [dreg:$0x7]  }
0x1b: {  	[tilespmem:s30], [sflag:$0x2] =	stream.linear.gather [hbm4b:s1+s18], $0x100, $0x38;
	[tilespmem:$0x18200] =	vst v63  }
0x1c: {  	_ =	swait.ge [sflag:s8], $0x100  }
0x1d: {  	[sflag:s8] =	ssyncset.done $0x0  }
0x1e: {  	[sflag:s8] =	ssyncadd.s32 $0xFFFFFF00  }
0x1f: {  	_ =	swait.ge [sflag:s6], $0x100  }
0x20: {  	[sflag:s6] =	ssyncset.done $0x0  }
0x21: {  	[sflag:s6] =	ssyncadd.s32 $0xFFFFFF00  }
0x22: {  	s1 =	rddreg [dreg:$0x1]  }
0x23: {  	[tilespmem:s9], [sflag:$0x1] =	stream.indirect.gather [hbm4b:s1+s25], $0x80, s18, s25, $0xb8;
	[tilespmem:$0x18200] =	vst v63  }
0x24: {  	_ = 	snop  }
0x25: {  	[tilespmem:s7], [sflag:$0x2] =	stream.indirect.gather [hbm4b:s1+s25], $0x80, s25, s25, $0xb8;
	[tilespmem:$0x18200] =	vst v63  }
0x26: {  	_ = 	snop  }
0x27: {  	[tilespmem:s28], [sflag:$0x3] =	stream.indirect.gather [hbm4b:s12+s25], $0x80, s30, s25, $0xb8;
	[tilespmem:$0x18200] =	vst v63  }
0x28: {  	_ = 	snop  }
0x29: {  	[tilespmem:s23], [sflag:$0x4] =	stream.indirect.gather [hbm4b:s12+s25], $0x80, s11, s25, $0xb8;
	[tilespmem:$0x18200] =	vst v63  }
0x2a: {  	_ = 	snop  }
0x2b: {  	[tilespmem:s22], [sflag:$0x5] =	stream.indirect.gather [hbm4b:s19+s25], $0x80, s18, s25, $0xb8;
	[tilespmem:$0x18200] =	vst v63  }
0x2c: {  	_ = 	snop  }
0x2d: {  	[tilespmem:s21], [sflag:$0x6] =	stream.indirect.gather [hbm4b:s19+s25], $0x80, s25, s25, $0xb8;
	[tilespmem:$0x18200] =	vst v63  }
0x2e: {  	_ =	swait.ge [sflag:s8], $0x4000  }
0x2f: {  	[sflag:s8] =	ssyncset.done $0x0  }
0x30: {  	s1 =	rddreg [dreg:$0x8];
	[sflag:s8] =	ssyncadd.s32 $0xFFFFC000  }
0x31: {  	[hbm4b:s1+s13] =	stream.strided.scatter [tilespmem:s9], [sflag:$0x7], $0x4000, s14, s13, $0x38;
	[tilespmem:$0x18200] =	vst v63  }
0x32: {  	_ =	swait.ge [sflag:s5], $0x4000  }
0x33: {  	[sflag:s5] =	ssyncset.done $0x0  }
0x34: {  	[sflag:s5] =	ssyncadd.s32 $0xFFFFC000  }
0x35: {  	[tilespmem:s9], [sflag:$0x1] =	stream.indirect.gather [hbm4b:s4+s25], $0x80, s30, s25, $0xb8;
	[tilespmem:$0x18200] =	vst v63  }
0x36: {  	_ =	swait.ge [sflag:s6], $0x4000  }
0x37: {  	[sflag:s6] =	ssyncset.done $0x0  }
0x38: {  	s1 =	rddreg [dreg:$0x9];
	[sflag:s6] =	ssyncadd.s32 $0xFFFFC000  }
0x39: {  	[hbm4b:s1+s13] =	stream.strided.scatter [tilespmem:s7], [sflag:$0x8], $0x4000, s14, s13, $0x38;
	[tilespmem:$0x18200] =	vst v63  }
0x3a: {  	_ =	swait.ge [sflag:s3], $0x4000  }
0x3b: {  	[sflag:s3] =	ssyncset.done $0x0  }
0x3c: {  	[sflag:s3] =	ssyncadd.s32 $0xFFFFC000  }
0x3d: {  	[tilespmem:s7], [sflag:$0x2] =	stream.indirect.gather [hbm4b:s4+s25], $0x80, s11, s25, $0xb8;
	[tilespmem:$0x18200] =	vst v63  }
0x3e: {  	_ =	swait.ge [sflag:s31], $0x4000  }
0x3f: {  	[sflag:s31] =	ssyncset.done $0x0  }
0x40: {  	s1 =	rddreg [dreg:$0xa];
	[sflag:s31] =	ssyncadd.s32 $0xFFFFC000  }
0x41: {  	[hbm4b:s1+s13] =	stream.strided.scatter [tilespmem:s28], [sflag:$0x9], $0x4000, s14, s13, $0x38;
	[tilespmem:$0x18200] =	vst v63  }
0x42: {  	_ =	swait.ge [sflag:s29], $0x4000  }
0x43: {  	[sflag:s29] =	ssyncset.done $0x0  }
0x44: {  	s1 =	rddreg [dreg:$0xb];
	[sflag:s29] =	ssyncadd.s32 $0xFFFFC000  }
0x45: {  	[hbm4b:s1+s13] =	stream.strided.scatter [tilespmem:s23], [sflag:$0xA], $0x4000, s14, s13, $0x38;
	[tilespmem:$0x18200] =	vst v63  }
0x46: {  	_ =	swait.ge [sflag:s26], $0x4000  }
0x47: {  	[sflag:s26] =	ssyncset.done $0x0  }
0x48: {  	s1 =	rddreg [dreg:$0xc];
	[sflag:s26] =	ssyncadd.s32 $0xFFFFC000  }
0x49: {  	[hbm4b:s1+s13] =	stream.strided.scatter [tilespmem:s22], [sflag:$0xB], $0x4000, s14, s13, $0x38;
	[tilespmem:$0x18200] =	vst v63  }
0x4a: {  	_ =	swait.ge [sflag:s24], $0x4000  }
0x4b: {  	[sflag:s24] =	ssyncset.done $0x0  }
0x4c: {  	s1 =	rddreg [dreg:$0xd];
	[sflag:s24] =	ssyncadd.s32 $0xFFFFC000  }
0x4d: {  	[hbm4b:s1+s13] =	stream.strided.scatter [tilespmem:s21], [sflag:$0xC], $0x4000, s14, s13, $0x38;
	[tilespmem:$0x18200] =	vst v63  }
0x4e: {  	_ =	swait.ge [sflag:s8], $0x4000  }
0x4f: {  	[sflag:s8] =	ssyncset.done $0x0  }
0x50: {  	s1 =	rddreg [dreg:$0xe];
	[sflag:s8] =	ssyncadd.s32 $0xFFFFC000  }
0x51: {  	[hbm4b:s1+s13] =	stream.strided.scatter [tilespmem:s9], [sflag:$0x7], $0x4000, s14, s13, $0x38;
	[tilespmem:$0x18200] =	vst v63  }
0x52: {  	_ =	swait.ge [sflag:s6], $0x4000  }
0x53: {  	[sflag:s6] =	ssyncset.done $0x0  }
0x54: {  	[sflag:s6] =	ssyncadd.s32 $0xFFFFC000  }
0x55: {  	[hbm4b:s10+s13] =	stream.strided.scatter [tilespmem:s7], [sflag:$0x8], $0x4000, s14, s13, $0x38;
	[tilespmem:$0x18200] =	vst v63  }
0x56: {  	_ =	swait.ge [sflag:s20], $0x4000  }
0x57: {  	[sflag:s20] =	ssyncset.done $0x0  }
0x58: {  	[sflag:s20] =	ssyncadd.s32 $0xFFFFC000  }
0x59: {  	_ =	swait.ge [sflag:s17], $0x4000  }
0x5a: {  	[sflag:s17] =	ssyncset.done $0x0  }
0x5b: {  	[sflag:s17] =	ssyncadd.s32 $0xFFFFC000  }
0x5c: {  	_ =	swait.ge [sflag:s16], $0x4000  }
0x5d: {  	[sflag:s16] =	ssyncset.done $0x0  }
0x5e: {  	[sflag:s16] =	ssyncadd.s32 $0xFFFFC000  }
0x5f: {  	_ =	swait.ge [sflag:s15], $0x4000  }
0x60: {  	[sflag:s15] =	ssyncset.done $0x0  }
0x61: {  	p1 =	sne.s32 s2, $0x1;
	[sflag:s15] =	ssyncadd.s32 $0xFFFFC000  }
.Ltmp1:
0x62: {  	_ =	swait.ge [sflag:s5], $0x4000;
	(pc) =	sbr.rel @!p1 .LBB2_3-.Ltmp1, $4  }
0x63: {  	[sflag:s5] =	ssyncset.done $0x0  }
0x64: {  	[sflag:s5] =	ssyncadd.s32 $0xFFFFC000  }
0x65: {  	p0 =	por $0x1, $0x1;
	_ =	swait.ge [sflag:s3], $0x4000  }
0x66: {  	s1 =	sadd.s32 $0xFFFFFFFF, s2;
	s0 =	rddreg [dreg:$0x6];
	[sflag:s3] =	ssyncset.done $0x0  }
.LBB2_4:
0x67: {  	[sflag:s3] =	ssyncadd.s32 $0xFFFFC000  }
0x68: {  	[tilespmem:s18], [sflag:$0x1] =	stream.linear.gather [hbm4b:s0+s18], $0x100, $0x38;
	[tilespmem:$0x18200] =	vst v63  }
0x69: {  	s2 =	rddreg [dreg:$0x7]  }
0x6a: {  	[tilespmem:s30], [sflag:$0x2] =	stream.linear.gather [hbm4b:s2+s18], $0x100, $0x38;
	[tilespmem:$0x18200] =	vst v63  }
0x6b: {  	_ =	swait.ge [sflag:s8], $0x100  }
0x6c: {  	[sflag:s8] =	ssyncset.done $0x0  }
0x6d: {  	[sflag:s8] =	ssyncadd.s32 $0xFFFFFF00  }
0x6e: {  	_ =	swait.ge [sflag:s6], $0x100  }
0x6f: {  	[sflag:s6] =	ssyncset.done $0x0  }
0x70: {  	[sflag:s6] =	ssyncadd.s32 $0xFFFFFF00  }
0x71: {  	s2 =	rddreg [dreg:$0x1]  }
0x72: {  	[tilespmem:s9], [sflag:$0x1] =	stream.indirect.gather [hbm4b:s2+s25], $0x80, s18, s25, $0xb8;
	[tilespmem:$0x18200] =	vst v63  }
0x73: {  	_ = 	snop  }
0x74: {  	[tilespmem:s7], [sflag:$0x2] =	stream.indirect.gather [hbm4b:s2+s25], $0x80, s25, s25, $0xb8;
	[tilespmem:$0x18200] =	vst v63  }
0x75: {  	_ = 	snop  }
0x76: {  	[tilespmem:s28], [sflag:$0x3] =	stream.indirect.gather [hbm4b:s12+s25], $0x80, s30, s25, $0xb8;
	[tilespmem:$0x18200] =	vst v63  }
0x77: {  	_ = 	snop  }
0x78: {  	[tilespmem:s23], [sflag:$0x4] =	stream.indirect.gather [hbm4b:s12+s25], $0x80, s11, s25, $0xb8;
	[tilespmem:$0x18200] =	vst v63  }
0x79: {  	_ = 	snop  }
0x7a: {  	[tilespmem:s22], [sflag:$0x5] =	stream.indirect.gather [hbm4b:s19+s25], $0x80, s18, s25, $0xb8;
	[tilespmem:$0x18200] =	vst v63  }
0x7b: {  	_ = 	snop  }
0x7c: {  	[tilespmem:s21], [sflag:$0x6] =	stream.indirect.gather [hbm4b:s19+s25], $0x80, s25, s25, $0xb8;
	[tilespmem:$0x18200] =	vst v63  }
0x7d: {  	_ =	swait.ge [sflag:s8], $0x4000  }
0x7e: {  	[sflag:s8] =	ssyncset.done $0x0  }
0x7f: {  	s2 =	rddreg [dreg:$0x8];
	[sflag:s8] =	ssyncadd.s32 $0xFFFFC000  }
0x80: {  	[hbm4b:s2+s13] =	stream.strided.scatter [tilespmem:s9], [sflag:$0x7], $0x4000, s14, s13, $0x38;
	[tilespmem:$0x18200] =	vst v63  }
0x81: {  	_ =	swait.ge [sflag:s5], $0x4000  }
0x82: {  	[sflag:s5] =	ssyncset.done $0x0  }
0x83: {  	[sflag:s5] =	ssyncadd.s32 $0xFFFFC000  }
0x84: {  	[tilespmem:s9], [sflag:$0x1] =	stream.indirect.gather [hbm4b:s4+s25], $0x80, s30, s25, $0xb8;
	[tilespmem:$0x18200] =	vst v63  }
0x85: {  	_ =	swait.ge [sflag:s6], $0x4000  }
0x86: {  	[sflag:s6] =	ssyncset.done $0x0  }
0x87: {  	s2 =	rddreg [dreg:$0x9];
	[sflag:s6] =	ssyncadd.s32 $0xFFFFC000  }
0x88: {  	[hbm4b:s2+s13] =	stream.strided.scatter [tilespmem:s7], [sflag:$0x8], $0x4000, s14, s13, $0x38;
	[tilespmem:$0x18200] =	vst v63  }
0x89: {  	_ =	swait.ge [sflag:s3], $0x4000  }
0x8a: {  	[sflag:s3] =	ssyncset.done $0x0  }
0x8b: {  	[sflag:s3] =	ssyncadd.s32 $0xFFFFC000  }
0x8c: {  	[tilespmem:s7], [sflag:$0x2] =	stream.indirect.gather [hbm4b:s4+s25], $0x80, s11, s25, $0xb8;
	[tilespmem:$0x18200] =	vst v63  }
0x8d: {  	_ =	swait.ge [sflag:s31], $0x4000  }
0x8e: {  	[sflag:s31] =	ssyncset.done $0x0  }
0x8f: {  	s2 =	rddreg [dreg:$0xa];
	[sflag:s31] =	ssyncadd.s32 $0xFFFFC000  }
0x90: {  	[hbm4b:s2+s13] =	stream.strided.scatter [tilespmem:s28], [sflag:$0x9], $0x4000, s14, s13, $0x38;
	[tilespmem:$0x18200] =	vst v63  }
0x91: {  	_ =	swait.ge [sflag:s29], $0x4000  }
0x92: {  	[sflag:s29] =	ssyncset.done $0x0  }
0x93: {  	s2 =	rddreg [dreg:$0xb];
	[sflag:s29] =	ssyncadd.s32 $0xFFFFC000  }
0x94: {  	[hbm4b:s2+s13] =	stream.strided.scatter [tilespmem:s23], [sflag:$0xA], $0x4000, s14, s13, $0x38;
	[tilespmem:$0x18200] =	vst v63  }
0x95: {  	_ =	swait.ge [sflag:s26], $0x4000  }
0x96: {  	[sflag:s26] =	ssyncset.done $0x0  }
0x97: {  	s2 =	rddreg [dreg:$0xc];
	[sflag:s26] =	ssyncadd.s32 $0xFFFFC000  }
0x98: {  	[hbm4b:s2+s13] =	stream.strided.scatter [tilespmem:s22], [sflag:$0xB], $0x4000, s14, s13, $0x38;
	[tilespmem:$0x18200] =	vst v63  }
0x99: {  	_ =	swait.ge [sflag:s24], $0x4000  }
0x9a: {  	[sflag:s24] =	ssyncset.done $0x0  }
0x9b: {  	s2 =	rddreg [dreg:$0xd];
	[sflag:s24] =	ssyncadd.s32 $0xFFFFC000  }
0x9c: {  	[hbm4b:s2+s13] =	stream.strided.scatter [tilespmem:s21], [sflag:$0xC], $0x4000, s14, s13, $0x38;
	[tilespmem:$0x18200] =	vst v63  }
0x9d: {  	_ =	swait.ge [sflag:s8], $0x4000  }
0x9e: {  	[sflag:s8] =	ssyncset.done $0x0  }
0x9f: {  	s2 =	rddreg [dreg:$0xe];
	[sflag:s8] =	ssyncadd.s32 $0xFFFFC000  }
0xa0: {  	[hbm4b:s2+s13] =	stream.strided.scatter [tilespmem:s9], [sflag:$0x7], $0x4000, s14, s13, $0x38;
	[tilespmem:$0x18200] =	vst v63  }
0xa1: {  	_ =	swait.ge [sflag:s6], $0x4000  }
0xa2: {  	[sflag:s6] =	ssyncset.done $0x0  }
0xa3: {  	[sflag:s6] =	ssyncadd.s32 $0xFFFFC000  }
0xa4: {  	[hbm4b:s10+s13] =	stream.strided.scatter [tilespmem:s7], [sflag:$0x8], $0x4000, s14, s13, $0x38;
	[tilespmem:$0x18200] =	vst v63  }
0xa5: {  	_ =	swait.ge [sflag:s20], $0x4000  }
0xa6: {  	[sflag:s20] =	ssyncset.done $0x0  }
0xa7: {  	[sflag:s20] =	ssyncadd.s32 $0xFFFFC000  }
0xa8: {  	_ =	swait.ge [sflag:s17], $0x4000  }
0xa9: {  	[sflag:s17] =	ssyncset.done $0x0  }
0xaa: {  	[sflag:s17] =	ssyncadd.s32 $0xFFFFC000  }
0xab: {  	_ =	swait.ge [sflag:s16], $0x4000  }
0xac: {  	[sflag:s16] =	ssyncset.done $0x0  }
0xad: {  	[sflag:s16] =	ssyncadd.s32 $0xFFFFC000  }
0xae: {  	_ =	swait.ge [sflag:s15], $0x4000  }
0xaf: {  	[sflag:s15] =	ssyncset.done $0x0  }
0xb0: {  	p1 =	sne.s32 s1, $0x1;
	[sflag:s15] =	ssyncadd.s32 $0xFFFFC000  }
.Ltmp2:
0xb1: {  	_ =	swait.ge [sflag:s5], $0x4000;
	(pc) =	sbr.rel @p1 .LBB2_4-.Ltmp2, $4  }
0xb2: {  	[sflag:s5] =	ssyncset.done $0x0  }
0xb3: {  	[sflag:s5] =	ssyncadd.s32 $0xFFFFC000  }
0xb4: {  	_ =	swait.ge [sflag:s3], $0x4000  }
0xb5: {  	s1 =	sadd.s32 $0xFFFFFFFF, s1;
	s0 =	rddreg [dreg:$0x6];
	[sflag:s3] =	ssyncset.done $0x0  }
0xb6: {  	s21 =	rddreg [dreg:$0x1];
	s2 =	stileid.u32  }
.LBB2_6:
0xb7: {  	[sflag:s3] =	ssyncadd.s32 @p0 $0xFFFFC000  }
0xb8: {  	[tilespmem:s18], [sflag:$0x1] =	stream.linear.gather [hbm4b:s0+s18], $0x100, $0x38;
	[tilespmem:$0x18200] =	vst v63  }
0xb9: {  	s1 =	rddreg [dreg:$0x7]  }
0xba: {  	[tilespmem:s30], [sflag:$0x2] =	stream.linear.gather [hbm4b:s1+s18], $0x100, $0x38;
	[tilespmem:$0x18200] =	vst v63  }
0xbb: {  	_ =	swait.ge [sflag:s8], $0x100  }
0xbc: {  	[sflag:s8] =	ssyncset.done $0x0  }
0xbd: {  	[sflag:s8] =	ssyncadd.s32 $0xFFFFFF00  }
0xbe: {  	_ =	swait.ge [sflag:s6], $0x100  }
0xbf: {  	[sflag:s6] =	ssyncset.done $0x0  }
0xc0: {  	[sflag:s6] =	ssyncadd.s32 $0xFFFFFF00  }
0xc1: {  	[tilespmem:s9], [sflag:$0x1] =	stream.indirect.gather [hbm4b:s21+s25], $0x80, s18, s25, $0xb8;
	[tilespmem:$0x18200] =	vst v63  }
0xc2: {  	_ = 	snop  }
0xc3: {  	[tilespmem:s7], [sflag:$0x2] =	stream.indirect.gather [hbm4b:s21+s25], $0x80, s25, s25, $0xb8;
	[tilespmem:$0x18200] =	vst v63  }
0xc4: {  	s22 =	simm.s32 $0x8200  }
0xc5: {  	[tilespmem:s22], [sflag:$0x3] =	stream.indirect.gather [hbm4b:s12+s25], $0x80, s30, s25, $0xb8;
	[tilespmem:$0x18200] =	vst v63  }
0xc6: {  	s21 =	simm.s32 $0xC200  }
0xc7: {  	[tilespmem:s21], [sflag:$0x4] =	stream.indirect.gather [hbm4b:s12+s25], $0x80, s11, s25, $0xb8;
	[tilespmem:$0x18200] =	vst v63  }
0xc8: {  	s1 =	simm.s32 $0x10200  }
0xc9: {  	[tilespmem:s1], [sflag:$0x5] =	stream.indirect.gather [hbm4b:s19+s25], $0x80, s18, s25, $0xb8;
	[tilespmem:$0x18200] =	vst v63  }
0xca: {  	s18 =	simm.s32 $0x14200  }
0xcb: {  	[tilespmem:s18], [sflag:$0x6] =	stream.indirect.gather [hbm4b:s19+s25], $0x80, s25, s25, $0xb8;
	[tilespmem:$0x18200] =	vst v63  }
0xcc: {  	_ =	swait.ge [sflag:s8], $0x4000  }
0xcd: {  	[sflag:s8] =	ssyncset.done $0x0  }
0xce: {  	s19 =	rddreg [dreg:$0x8];
	[sflag:s8] =	ssyncadd.s32 $0xFFFFC000  }
0xcf: {  	[hbm4b:s19+s13] =	stream.strided.scatter [tilespmem:s9], [sflag:$0x7], $0x4000, s14, s13, $0x38;
	[tilespmem:$0x18200] =	vst v63  }
0xd0: {  	_ =	swait.ge [sflag:s5], $0x4000  }
0xd1: {  	[sflag:s5] =	ssyncset.done $0x0  }
0xd2: {  	[sflag:s5] =	ssyncadd.s32 $0xFFFFC000  }
0xd3: {  	[tilespmem:s9], [sflag:$0x1] =	stream.indirect.gather [hbm4b:s4+s25], $0x80, s30, s25, $0xb8;
	[tilespmem:$0x18200] =	vst v63  }
0xd4: {  	_ =	swait.ge [sflag:s6], $0x4000  }
0xd5: {  	[sflag:s6] =	ssyncset.done $0x0  }
0xd6: {  	s23 =	rddreg [dreg:$0x9];
	[sflag:s6] =	ssyncadd.s32 $0xFFFFC000  }
0xd7: {  	[hbm4b:s23+s13] =	stream.strided.scatter [tilespmem:s7], [sflag:$0x8], $0x4000, s14, s13, $0x38;
	[tilespmem:$0x18200] =	vst v63  }
0xd8: {  	_ =	swait.ge [sflag:s3], $0x4000  }
0xd9: {  	[sflag:s3] =	ssyncset.done $0x0  }
0xda: {  	[sflag:s3] =	ssyncadd.s32 $0xFFFFC000  }
0xdb: {  	[tilespmem:s7], [sflag:$0x2] =	stream.indirect.gather [hbm4b:s4+s25], $0x80, s11, s25, $0xb8;
	[tilespmem:$0x18200] =	vst v63  }
0xdc: {  	_ =	swait.ge [sflag:s31], $0x4000  }
0xdd: {  	[sflag:s31] =	ssyncset.done $0x0  }
0xde: {  	s25 =	rddreg [dreg:$0xa];
	[sflag:s31] =	ssyncadd.s32 $0xFFFFC000  }
0xdf: {  	[hbm4b:s25+s13] =	stream.strided.scatter [tilespmem:s22], [sflag:$0x9], $0x4000, s14, s13, $0x38;
	[tilespmem:$0x18200] =	vst v63  }
0xe0: {  	_ =	swait.ge [sflag:s29], $0x4000  }
0xe1: {  	[sflag:s29] =	ssyncset.done $0x0  }
0xe2: {  	s28 =	rddreg [dreg:$0xb];
	[sflag:s29] =	ssyncadd.s32 $0xFFFFC000  }
0xe3: {  	[hbm4b:s28+s13] =	stream.strided.scatter [tilespmem:s21], [sflag:$0xA], $0x4000, s14, s13, $0x38;
	[tilespmem:$0x18200] =	vst v63  }
0xe4: {  	_ =	swait.ge [sflag:s26], $0x4000  }
0xe5: {  	[sflag:s26] =	ssyncset.done $0x0  }
0xe6: {  	s29 =	rddreg [dreg:$0xc];
	[sflag:s26] =	ssyncadd.s32 $0xFFFFC000  }
0xe7: {  	[hbm4b:s29+s13] =	stream.strided.scatter [tilespmem:s1], [sflag:$0xB], $0x4000, s14, s13, $0x38;
	[tilespmem:$0x18200] =	vst v63  }
0xe8: {  	_ =	swait.ge [sflag:s24], $0x4000  }
0xe9: {  	[sflag:s24] =	ssyncset.done $0x0  }
0xea: {  	s30 =	rddreg [dreg:$0xd];
	[sflag:s24] =	ssyncadd.s32 $0xFFFFC000  }
0xeb: {  	[hbm4b:s30+s13] =	stream.strided.scatter [tilespmem:s18], [sflag:$0xC], $0x4000, s14, s13, $0x38;
	[tilespmem:$0x18200] =	vst v63  }
0xec: {  	_ =	swait.ge [sflag:s8], $0x4000  }
0xed: {  	[sflag:s8] =	ssyncset.done $0x0  }
0xee: {  	s31 =	rddreg [dreg:$0xe];
	[sflag:s8] =	ssyncadd.s32 $0xFFFFC000  }
0xef: {  	[hbm4b:s31+s13] =	stream.strided.scatter [tilespmem:s9], [sflag:$0x7], $0x4000, s14, s13, $0x38;
	[tilespmem:$0x18200] =	vst v63  }
0xf0: {  	_ =	swait.ge [sflag:s6], $0x4000  }
0xf1: {  	[sflag:s6] =	ssyncset.done $0x0  }
0xf2: {  	[sflag:s6] =	ssyncadd.s32 $0xFFFFC000  }
0xf3: {  	[hbm4b:s10+s13] =	stream.strided.scatter [tilespmem:s7], [sflag:$0x8], $0x4000, s14, s13, $0x38;
	[tilespmem:$0x18200] =	vst v63  }
0xf4: {  	_ =	swait.ge [sflag:s20], $0x4000  }
0xf5: {  	[sflag:s20] =	ssyncset.done $0x0  }
0xf6: {  	[sflag:s20] =	ssyncadd.s32 $0xFFFFC000  }
0xf7: {  	_ =	swait.ge [sflag:s17], $0x4000  }
0xf8: {  	[sflag:s17] =	ssyncset.done $0x0  }
0xf9: {  	[sflag:s17] =	ssyncadd.s32 $0xFFFFC000  }
0xfa: {  	_ =	swait.ge [sflag:s16], $0x4000  }
0xfb: {  	[sflag:s16] =	ssyncset.done $0x0  }
0xfc: {  	[sflag:s16] =	ssyncadd.s32 $0xFFFFC000  }
0xfd: {  	_ =	swait.ge [sflag:s15], $0x4000  }
0xfe: {  	[sflag:s15] =	ssyncset.done $0x0  }
0xff: {  	[sflag:s15] =	ssyncadd.s32 $0xFFFFC000  }
0x100: {  	_ =	swait.ge [sflag:s5], $0x4000  }
0x101: {  	[sflag:s5] =	ssyncset.done $0x0  }
0x102: {  	[sflag:s5] =	ssyncadd.s32 $0xFFFFC000  }
0x103: {  	_ =	swait.ge [sflag:s3], $0x4000  }
0x104: {  	[sflag:s3] =	ssyncset.done $0x0  }
0x105: {  	[sflag:s3] =	ssyncadd.s32 $0xFFFFC000  }
0x106: {  	_ =	sfence.sel $0x180000  }
0x107: {  	[bflag:$0x0] =	sbarrier.arrive $0xFFFF  }
0x108: {  	_ =	strace $0x90000047  }
0x109: {  	[bflag:$0x2] =	sbarrier.arrive $0xFFFF  }
0x10a: {  	p0 =	sne.s32 s2, $0x0;
	s0 =	rddreg [dreg:$0x5]  }
0x10b: {  	s0 =	sadd.s32 @!p0 $0x100000, s0  }
0x10c: {  	[sflag:s0] =	ssyncadd.tile.s32 @!p0 $0x1;
	_ =	shalt  }
.LBB2_1:
.Ltmp3:
0x10d: {  	(pc) =	sbr.rel .LBB2_6-.Ltmp3, $2  }
0x10e: {  	_ =	sdelay $0x2  }
0x10f: {  	s21 =	rddreg [dreg:$0x1]  }
.LBB2_3:
.Ltmp4:
0x110: {  	(pc) =	sbr.rel .LBB2_6-.Ltmp4, $2  }
0x111: {  	_ =	sdelay $0x2  }
0x112: {  	s21 =	rddreg [dreg:$0x1];
	s2 =	stileid.u32  }
.Lfunc_end2:
_tile_overlayer_lowered:
.L_overlay_start_2:
0x113: {  	(tag) =	ssettag $0x2  }
0x114: {  	s0 =	rddreg [dreg:$0x0];
	s2 =	stileid.u32  }
0x115: {  	s1 =	rddreg [dreg:$0x1];
	p0 =	sne.s32 s2, $0x0  }
0x116: {  	s3 =	rddreg [dreg:$0x2];
	[bflag:$0x3] =	sbarrier.arrive $0xFFFF;
	s2 =	simm.s32 @!p0 $0x1C0D  }
0x117: {  	[timem:s3], [sflag:s2] =	dma.local @!p0 [hbm:s0], s1  }
0x118: {  	s0 =	simm.s32 @!p0 $0xD  }
0x119: {  	_ =	swait.ge @!p0 [sflag:s0], s1  }
0x11a: {  	s1 =	ssub.s32 @!p0 $0x0, s1;
	[sflag:s0] =	ssyncset.done @!p0 $0x0  }
0x11b: {  	[sflag:s0] =	ssyncadd.s32 @!p0 s1  }
0x11c: {  	[bflag:$0x3] =	sbarrier.arrive $0xFFFF  }
0x11d: {  	_ =	shalt  }

// kernel: kernel.9.cloned.1.call-start
scs
__scs_entry_jumppad:
0x0: {  	(pc) =	sbr.rel $0x88, $3  }
0x1: {  	(tag) =	ssettag $0x0;
	lr =	simm.s32 $0x1  }
0x2: {  	[smem:$0x3F92] =	sst lr;
	_ =	strace $0xD0000000  }
0x3: {  	_ = 	snop  }
0x4: {  	_ = 	snop  }
0x5: {  	_ = 	snop  }
0x6: {  	_ = 	snop  }
0x7: {  	_ = 	snop  }
__scs_overlays_trampoline_lowered:
0x8: {  	[smem:$0x3FA1] =	sst s0  }
0x9: {  	[smem:$0x3FA2] =	sst s1  }
0xa: {  	[smem:$0x3FA3] =	sst s2  }
0xb: {  	[smem:$0x3FA4] =	sst s3  }
0xc: {  	[smem:$0x3FA5] =	sst s4  }
0xd: {  	[smem:$0x3FA6] =	sst s5  }
0xe: {  	[smem:$0x3FA7] =	sst s6  }
0xf: {  	[smem:$0x3FA8] =	sst s7  }
0x10: {  	[smem:$0x3FA9] =	sst s8  }
0x11: {  	[smem:$0x3FAA] =	sst s9;
	s0 =	simm.s32 @!p0 $0x0  }
0x12: {  	s1 =	sld [smem:$0x3F90];
	s0 =	simm.s32 @p0 $0x1  }
0x13: {  	[smem:$0x3FAB] =	sst s0;
	s0 =	simm.s32 @!p1 $0x0  }
0x14: {  	s2 =	sld [smem:$0x3F8F];
	s0 =	simm.s32 @p1 $0x1  }
0x15: {  	[smem:$0x3FAC] =	sst s0;
	s0 =	simm.s32 @!p2 $0x0  }
0x16: {  	s3 =	sld [smem:$0x3FDB];
	s0 =	simm.s32 @p2 $0x1  }
0x17: {  	s4 =	simm.s32 $0x1BF5;
	[smem:$0x3FAE] =	sst s0  }
0x18: {  	s0 =	sld [smem:$0x3F91];
	_ =	swait.ge [sflag:s4], $0x0  }
0x19: {  	s7 =	sld [smem:$0x3F92]  }
0x1a: {  	s8 =	sadd.s32 $0xFFFFE003, lr  }
0x1b: {  	s9 =	sadd.s32 $0xFFFFFEF7, lr;
	s5 =	simm.s32 $0xFFFFFFFF;
	p2 =	slt.u32 s8, $0xFFFFF086  }
0x1c: {  	p1 =	slt.u32 s9, $0xF7A;
	s5 =	simm.s32 @!p2 $0x0  }
0x1d: {  	s5 =	simm.s32 @p1 $0x1;
	p0 =	seq.s32 s7, s2  }
0x1e: {  	s7 =	smul.u32 @!p0 $0xF7A, s2;
	p2 =	seq.s32 @!p0 s5, $0x0  }
0x1f: {  	s9 =	smul.u32 $0xF7A, s1;
	s8 =	simm.s32 @!p0 $0x1BF5;
	p2 =	por !p2, p0  }
0x20: {  	[sflag:s8] =	ssyncset.s32 @!p0 $0xFFFFF086;
	s6 =	sadd.s32 @!p0 s3, s7;
	s7 =	simm.s32 @!p0 $0x108  }
0x21: {  	s3 =	sadd.s32 s3, s9;
	s6 =	sadd.s32 @!p0 $0x88, s6;
	s7 =	simm.s32 @p2 $0x1082  }
0x22: {  	[simem:s7], [sflag:s8] =	dma.local @!p0 [hbm:s6], $0xF7A  }
0x23: {  	s9 =	sor.u32 $0xD0000000, s2;
	s6 =	simm.s32 $0x108;
	_ =	swait.ge @!p0 [sflag:s8], $0x0  }
0x24: {  	s3 =	sadd.s32 $0x88, s3;
	s6 =	simm.s32 @!p1 $0x1082;
	[sflag:s4] =	ssyncset.s32 $0xFFFFF086  }
0x25: {  	[simem:s6], [sflag:s4] =	dma.local [hbm:s3], $0xF7A  }
0x26: {  	[smem:$0x3F92] =	sst s1;
	(tag) =	ssettag s2;
	_ =	strace s9  }
0x27: {  	s1 =	sld [smem:$0x3FA2]  }
0x28: {  	s2 =	sld [smem:$0x3FA3]  }
0x29: {  	s4 =	sld [smem:$0x3FA5]  }
0x2a: {  	p0 =	seq.s32 s5, $0x0;
	s5 =	sld [smem:$0x3FA6]  }
0x2b: {  	s6 =	sld [smem:$0x3FA7]  }
0x2c: {  	s7 =	sld [smem:$0x3FA8]  }
0x2d: {  	s3 =	simm.s32 $0x108;
	s8 =	sld [smem:$0x3FA9]  }
0x2e: {  	s3 =	simm.s32 @!p0 $0x1082;
	s9 =	sld [smem:$0x3FAA]  }
0x2f: {  	lr =	sadd.s32 s0, s3;
	s0 =	sld [smem:$0x3FA1]  }
0x30: {  	s3 =	sld [smem:$0x3FA4]  }
0x31: {  	[smem:$0x3FAD] =	sst s10  }
0x32: {  	s10 =	sld [smem:$0x3FAB];
	_ =	sdelay $0x3  }
0x33: {  	p0 =	seq.s32 s10, $0x1;
	s10 =	sld [smem:$0x3FAD];
	_ =	sdelay $0x3  }
0x34: {  	[smem:$0x3FAD] =	sst s10  }
0x35: {  	s10 =	sld [smem:$0x3FAC];
	_ =	sdelay $0x3  }
0x36: {  	p1 =	seq.s32 s10, $0x1;
	s10 =	sld [smem:$0x3FAD];
	_ =	sdelay $0x3  }
0x37: {  	[smem:$0x3FAD] =	sst s10  }
0x38: {  	s10 =	sld [smem:$0x3FAE]  }
0x39: {  	_ = 	snop;
	(pc) =	sbr.ind lr, $3  }
0x3a: {  	_ = 	snop  }
0x3b: {  	_ = 	snop  }
0x3c: {  	p2 =	seq.s32 s10, $0x1;
	s10 =	sld [smem:$0x3FAD]  }
0x3d: {  	_ =	shalt  }
0x3e: {  	_ =	shalt  }
0x3f: {  	_ =	shalt  }
0x40: {  	_ =	shalt  }
0x41: {  	_ =	shalt  }
0x42: {  	_ =	shalt  }
0x43: {  	_ =	shalt  }
0x44: {  	_ =	shalt  }
0x45: {  	_ =	shalt  }
0x46: {  	_ =	shalt  }
0x47: {  	_ =	shalt  }
0x48: {  	_ =	shalt  }
0x49: {  	_ =	shalt  }
0x4a: {  	_ =	shalt  }
0x4b: {  	_ =	shalt  }
0x4c: {  	_ =	shalt  }
0x4d: {  	_ =	shalt  }
0x4e: {  	_ =	shalt  }
0x4f: {  	_ =	shalt  }
0x50: {  	_ =	shalt  }
0x51: {  	_ =	shalt  }
0x52: {  	_ =	shalt  }
0x53: {  	_ =	shalt  }
0x54: {  	_ =	shalt  }
0x55: {  	_ =	shalt  }
0x56: {  	_ =	shalt  }
0x57: {  	_ =	shalt  }
0x58: {  	_ =	shalt  }
0x59: {  	_ =	shalt  }
0x5a: {  	_ =	shalt  }
0x5b: {  	_ =	shalt  }
0x5c: {  	_ =	shalt  }
0x5d: {  	_ =	shalt  }
0x5e: {  	_ =	shalt  }
0x5f: {  	_ =	shalt  }
0x60: {  	_ =	shalt  }
0x61: {  	_ =	shalt  }
0x62: {  	_ =	shalt  }
0x63: {  	_ =	shalt  }
0x64: {  	_ =	shalt  }
0x65: {  	_ =	shalt  }
0x66: {  	_ =	shalt  }
0x67: {  	_ =	shalt  }
0x68: {  	_ =	shalt  }
0x69: {  	_ =	shalt  }
0x6a: {  	_ =	shalt  }
0x6b: {  	_ =	shalt  }
0x6c: {  	_ =	shalt  }
0x6d: {  	_ =	shalt  }
0x6e: {  	_ =	shalt  }
0x6f: {  	_ =	shalt  }
0x70: {  	_ =	shalt  }
0x71: {  	_ =	shalt  }
0x72: {  	_ =	shalt  }
0x73: {  	_ =	shalt  }
0x74: {  	_ =	shalt  }
0x75: {  	_ =	shalt  }
0x76: {  	_ =	shalt  }
0x77: {  	_ =	shalt  }
0x78: {  	_ =	shalt  }
0x79: {  	_ =	shalt  }
0x7a: {  	_ =	shalt  }
0x7b: {  	_ =	shalt  }
0x7c: {  	_ =	shalt  }
0x7d: {  	_ =	shalt  }
0x7e: {  	_ =	shalt  }
0x7f: {  	_ =	shalt  }
0x80: {  	_ =	shalt  }
0x81: {  	_ =	shalt  }
0x82: {  	_ =	shalt  }
0x83: {  	_ =	shalt  }
0x84: {  	_ =	shalt  }
0x85: {  	_ =	shalt  }
0x86: {  	_ =	shalt  }
0x87: {  	_ =	shalt  }
.Lfunc_end0:
.L_simem_size_0:
called_computation.1_lowered:
.L_overlay_start_0:
0x88: {  	s2 =	sld [smem:$0x3FD9]  }
0x89: {  	s3 =	sld [smem:$0x3FFE];
	_ =	sdelay $0x1  }
0x8a: {  	s1 =	srdreg.scid  }
0x8b: {  	s0 =	sand.u32 $0x1, s1  }
0x8c: {  	s17 =	sshll.u32 s0, $0xA;
	s2 =	sadd.s32 s3, s2  }
0x8d: {  	s2 =	sadd.s32 s2, s17  }
0x8e: {  	[smem:$0x3FB9] =	sst s2  }
0x8f: {  	_ = 	snop  }
0x90: {  	s18 =	sld [smem:$0x3FC7]  }
0x91: {  	s4 =	sld [smem:$0x3FC6]  }
0x92: {  	s5 =	sld [smem:$0x3FC5]  }
0x93: {  	s6 =	sld [smem:$0x3FC4]  }
0x94: {  	s7 =	sld [smem:$0x3FD0];
	(tm) =	ssettm $0x1  }
0x95: {  	s19 =	sld [smem:$0x3FFB];
	_ =	sdelay $0x3  }
0x96: {  	_ =	strace s19  }
0x97: {  	s2 =	sld [smem:$0x3FFC];
	_ =	sdelay $0x3  }
0x98: {  	_ =	strace s2  }
0x99: {  	s2 =	sld [smem:$0x3FFD];
	_ =	sdelay $0x3  }
0x9a: {  	_ =	strace s2  }
0x9b: {  	_ =	strace $0x8FFFFFFF  }
0x9c: {  	s20 =	sld [smem:$0x3FDB];
	_ =	sdelay $0x1  }
0x9d: {  	s8 =	simm.s32 $_scs_section_size  }
0x9e: {  	s9 =	simm.s32 $_size__tile_overlayer_lowered;
	s10 =	simm.s32 $_tile_overlayer_lowered  }
0x9f: {  	s11 =	simm.s32 $0x1BFF;
	s21 =	sshll.u32 s10, $0x1;
	s8 =	sadd.s32 s8, s20  }
0xa0: {  	s22 =	simm.s32 $0x0;
	s9 =	sshll.u32 s9, $0x1;
	s10 =	sadd.s32 s21, s8  }
0xa1: {  	[timem:s22], [sflag:s11] =	dma.local [hbm:s10], s9  }
0xa2: {  	_ =	swait.ge [sflag:s11], s9  }
0xa3: {  	s9 =	ssub.s32 $0x0, s9;
	[sflag:s11] =	ssyncset.done $0x0  }
0xa4: {  	[sflag:s11] =	ssyncadd.s32 s9;
	_ =	sdelay $0x1  }
0xa5: {  	s23 =	simm.s32 $0x1B8B  }
0xa6: {  	_ =	swait.ge [sflag:s23], $0x1  }
0xa7: {  	[sflag:s23] =	ssyncset.done $0x0  }
0xa8: {  	[sflag:s23] =	ssyncadd.s32 $0xFFFFFFFF  }
0xa9: {  	s9 =	sld [smem:$0x0]  }
0xaa: {  	s10 =	sand.u32 $0xFFFFFFFE, s1  }
0xab: {  	p0 =	sne.s32 s1, s10  }
0xac: {  	s10 =	sshll.u32 @p0 s10, $0xE  }
0xad: {  	s10 =	sadd.s32 @p0 $0x11B8D, s10;
	s11 =	sshll.u32 @p0 s9, $0x11  }
0xae: {  	s10 =	sor.u32 @p0 s11, s10  }
0xaf: {  	[sflag:s10] =	ssyncadd.remote.s32 @p0 $0x1;
	_ =	sdelay $0x1  }
0xb0: {  	s10 =	simm.s32 @p0 $0x1B8D  }
0xb1: {  	_ =	swait.eq @p0 [sflag:s10], $0x1  }
0xb2: {  	[sflag:s10] =	ssyncadd.s32 @p0 $0xFFFFFFFF  }
0xb3: {  	s11 =	sshll.u32 @!p0 s1, $0xE  }
0xb4: {  	s11 =	sor.u32 @!p0 $0x4000, s11;
	s10 =	simm.s32 @!p0 $0x1B8D  }
0xb5: {  	s9 =	sshll.u32 @!p0 s9, $0x11;
	s11 =	sadd.s32 @!p0 $0x11B8D, s11;
	_ =	swait.eq @!p0 [sflag:s10], $0x1  }
0xb6: {  	s9 =	sor.u32 @!p0 s9, s11;
	[sflag:s10] =	ssyncadd.s32 @!p0 $0xFFFFFFFF  }
0xb7: {  	s25 =	simm.s32 $0x1B8E;
	s24 =	sld [smem:$0x3FFE];
	[sflag:s9] =	ssyncadd.remote.s32 @!p0 $0x1  }
0xb8: {  	s26 =	simm.s32 $execute0_lowered;
	[smem:$0x3FD2] =	sst s25  }
0xb9: {  	s10 =	sshll.u32 s26, $0x1;
	_ =	strace $0x80000049;
	[dreg:$0x1] =	wrdreg $0xFFFFFFFF  }
0xba: {  	s28 =	simm.s32 $_size_execute0_lowered;
	s8 =	sadd.s32 s8, s10;
	[dreg:$0x0] =	wrdreg $0x0  }
0xbb: {  	s10 =	sshll.u32 s28, $0x1;
	[dreg:$0x2] =	wrdreg s8  }
0xbc: {  	[dreg:$0x3] =	wrdreg s10  }
0xbd: {  	[dreg:$0x4] =	wrdreg $0xC0  }
0xbe: {  	_ =	task [dreg:s22], $0x5FFFF  }
0xbf: {  	[dreg:$0x1] =	wrdreg $0xFFFFFFFF  }
0xc0: {  	[dreg:$0x0] =	wrdreg $0x60  }
0xc1: {  	[dreg:$0x2] =	wrdreg s7  }
0xc2: {  	[dreg:$0x3] =	wrdreg s24  }
0xc3: {  	[dreg:$0x4] =	wrdreg s18  }
0xc4: {  	[dreg:$0x5] =	wrdreg s4  }
0xc5: {  	[dreg:$0x6] =	wrdreg s5  }
0xc6: {  	[dreg:$0x7] =	wrdreg s6  }
0xc7: {  	[dreg:$0x8] =	wrdreg $0xA  }
0xc8: {  	_ =	task.clear_ibuf [dreg:s22], $0x9FFFF;
	_ =	strace $0x90000049  }
0xc9: {  	s29 =	simm.s32 $0xA;
	_ =	strace $0x8000004B  }
0xca: {  	_ =	swait.ge [sflag:s29], $0x1  }
0xcb: {  	[sflag:s29] =	ssyncadd.s32 $0xFFFFFFFF  }
0xcc: {  	_ =	strace $0x9000004B  }
0xcd: {  	_ =	sfence  }
0xce: {  	s30 =	sld [smem:$0x0];
	_ =	sdelay $0x2  }
0xcf: {  	s31 =	sshll.u32 s1, $0xD;
	s1 =	sshrl.u32 s1, $0x2  }
0xd0: {  	s4 =	sand.u32 $0x4000, s31;
	s1 =	sadd.s32 s1, s30  }
0xd1: {  	s0 =	sor.u32 s4, s0;
	s1 =	sshll.u32 s1, $0x11  }
0xd2: {  	s0 =	sor.u32 s1, s0  }
0xd3: {  	s0 =	sadd.s32 $0x8F2B, s0  }
0xd4: {  	[sflag:s0] =	ssyncadd.remote.s32 $0x1  }
0xd5: {  	_ =	sfence.sel $0xFFFF  }
0xd6: {  	[dreg:$0x0] =	wrdreg $0xFFFFFFFF;
	(pc) =	sbr.abs _section_cstart, $3  }
0xd7: {  	[dreg:$0x1] =	wrdreg $0xFFFFFFFF  }
0xd8: {  	_ =	task.clear_ibuf [dreg:s22], $0x2FFFF;
	_ =	strace $0x9FFFFFFF  }
0xd9: {  	(tm) =	ssettm $0x7FFFFFFF  }
tec
execute0_lowered:
.L_overlay_start_1:
0x0: {  	(tag) =	ssettag $0x1  }
0x1: {  	s0 =	rddreg [dreg:$0x0]  }
0x2: {  	s1 =	rddreg [dreg:$0x1]  }
0x3: {  	s19 =	rddreg [dreg:$0x2]  }
0x4: {  	s12 =	rddreg [dreg:$0x3]  }
0x5: {  	s11 =	rddreg [dreg:$0x4]  }
0x6: {  	s3 =	srdreg.scid;
	s2 =	rddreg [dreg:$0x6]  }
0x7: {  	s5 =	stileid.u32;
	s16 =	simm.s32 $0x0;
	s30 =	simm.s32 $0x100  }
0x8: {  	s8 =	simm.s32 $0x1;
	s10 =	simm.s32 $0x200;
	s28 =	simm.s32 $0x8200  }
0x9: {  	s4 =	simm.s32 $0x180;
	s31 =	simm.s32 $0x3;
	s29 =	simm.s32 $0x4  }
0xa: {  	p0 =	por $0x0, $0x0;
	s3 =	sand.u32 $0x1, s3;
	s6 =	sshll.u32 s5, $0x9  }
0xb: {  	[smem:$0x7FF] =	sst s16;
	s13 =	sshll.u32 s3, $0x8;
	s3 =	ssub.s32 $0x2, s3  }
0xc: {  	_ =	strace $0x8000004A;
	s7 =	sor.u32 s13, s6;
	s23 =	sshrl.u32 s3, $0x1  }
0xd: {  	s6 =	simm.s32 $0x2;
	s13 =	simm.s32 $0x400;
	s5 =	sshrl.u32 s7, $0x3  }
0xe: {  	s7 =	sshll.u32 s7, $0x6;
	s3 =	ssub.s32 s3, s23;
	s23 =	simm.s32 $0xC200  }
0xf: {  	s14 =	sadd.s32 s5, s1;
	s0 =	sadd.s32 s0, s5;
	s1 =	sadd.s32 s7, s1  }
0x10: {  	s26 =	smax.u32 s3, $0x1;
	[dreg:$0x7] =	wrdreg s0;
	s15 =	sadd.s32 $0x83600, s14  }
0x11: {  	s7 =	simm.s32 $0x4200;
	s17 =	sadd.s32 $0x83A00, s1;
	[dreg:$0x8] =	wrdreg s15  }
0x12: {  	s5 =	simm.s32 $0x7;
	s18 =	sadd.s32 $0x85A00, s1;
	[dreg:$0x9] =	wrdreg s17  }
0x13: {  	s3 =	simm.s32 $0x8;
	s20 =	sadd.s32 $0x83A80, s1;
	[dreg:$0xa] =	wrdreg s18  }
0x14: {  	s21 =	sadd.s32 $0x85A80, s1;
	s22 =	sadd.s32 $0x83B00, s1;
	[dreg:$0xb] =	wrdreg s20  }
0x15: {  	s24 =	sadd.s32 $0x85B00, s1;
	s25 =	sadd.s32 $0x83B80, s1;
	[dreg:$0xc] =	wrdreg s21  }
0x16: {  	s9 =	sadd.s32 $0x85B80, s1;
	p1 =	sne.s32 s26, $0x1;
	[dreg:$0xd] =	wrdreg s22  }
.Ltmp0:
0x17: {  	s14 =	simm.s32 $0x1000;
	[dreg:$0xe] =	wrdreg s24;
	(pc) =	sbr.rel @!p1 .LBB2_1-.Ltmp0, $4  }
0x18: {  	s0 =	sadd.s32 $0xFFFFFFFF, s26;
	s26 =	simm.s32 $0x5;
	[dreg:$0xf] =	wrdreg s25  }
0x19: {  	s25 =	simm.s32 $0x80;
	s22 =	simm.s32 $0x10200;
	s21 =	simm.s32 $0x14200  }
0x1a: {  	s24 =	simm.s32 $0x6;
	s20 =	simm.s32 $0x9;
	s18 =	simm.s32 $0xA  }
0x1b: {  	s17 =	simm.s32 $0xB;
	s15 =	simm.s32 $0xC;
	s1 =	rddreg [dreg:$0x7]  }
0x1c: {  	[tilespmem:s16], [sflag:$0x1] =	stream.linear.gather [hbm4b:s1+s16], $0x100, $0x38;
	[tilespmem:$0x18200] =	vst v63  }
0x1d: {  	s2 =	smov.u32 s0;
	s0 =	rddreg [dreg:$0x8]  }
0x1e: {  	[tilespmem:s30], [sflag:$0x2] =	stream.linear.gather [hbm4b:s0+s16], $0x100, $0x38;
	[tilespmem:$0x18200] =	vst v63  }
0x1f: {  	_ =	swait.ge [sflag:s8], $0x100  }
0x20: {  	[sflag:s8] =	ssyncset.done $0x0  }
0x21: {  	[sflag:s8] =	ssyncadd.s32 $0xFFFFFF00  }
0x22: {  	_ =	swait.ge [sflag:s6], $0x100  }
0x23: {  	[sflag:s6] =	ssyncset.done $0x0  }
0x24: {  	[sflag:s6] =	ssyncadd.s32 $0xFFFFFF00  }
0x25: {  	[tilespmem:s10], [sflag:$0x1] =	stream.indirect.gather [hbm4b:s19+s25], $0x80, s16, s25, $0xb8;
	[tilespmem:$0x18200] =	vst v63  }
0x26: {  	_ = 	snop  }
0x27: {  	[tilespmem:s7], [sflag:$0x2] =	stream.indirect.gather [hbm4b:s19+s25], $0x80, s25, s25, $0xb8;
	[tilespmem:$0x18200] =	vst v63  }
0x28: {  	_ = 	snop  }
0x29: {  	[tilespmem:s28], [sflag:$0x3] =	stream.indirect.gather [hbm4b:s12+s25], $0x80, s30, s25, $0xb8;
	[tilespmem:$0x18200] =	vst v63  }
0x2a: {  	_ = 	snop  }
0x2b: {  	[tilespmem:s23], [sflag:$0x4] =	stream.indirect.gather [hbm4b:s12+s25], $0x80, s4, s25, $0xb8;
	[tilespmem:$0x18200] =	vst v63  }
0x2c: {  	_ = 	snop  }
0x2d: {  	[tilespmem:s22], [sflag:$0x5] =	stream.indirect.gather [hbm4b:s11+s25], $0x80, s16, s25, $0xb8;
	[tilespmem:$0x18200] =	vst v63  }
0x2e: {  	_ = 	snop  }
0x2f: {  	[tilespmem:s21], [sflag:$0x6] =	stream.indirect.gather [hbm4b:s11+s25], $0x80, s25, s25, $0xb8;
	[tilespmem:$0x18200] =	vst v63  }
0x30: {  	_ =	swait.ge [sflag:s8], $0x4000  }
0x31: {  	[sflag:s8] =	ssyncset.done $0x0  }
0x32: {  	s1 =	rddreg [dreg:$0x9];
	[sflag:s8] =	ssyncadd.s32 $0xFFFFC000  }
0x33: {  	[hbm4b:s1+s13] =	stream.strided.scatter [tilespmem:s10], [sflag:$0x7], $0x4000, s14, s13, $0x38;
	[tilespmem:$0x18200] =	vst v63  }
0x34: {  	_ =	swait.ge [sflag:s5], $0x4000  }
0x35: {  	[sflag:s5] =	ssyncset.done $0x0  }
0x36: {  	[sflag:s5] =	ssyncadd.s32 $0xFFFFC000  }
0x37: {  	s1 =	rddreg [dreg:$0x5]  }
0x38: {  	[tilespmem:s10], [sflag:$0x1] =	stream.indirect.gather [hbm4b:s1+s25], $0x80, s30, s25, $0xb8;
	[tilespmem:$0x18200] =	vst v63  }
0x39: {  	_ =	swait.ge [sflag:s6], $0x4000  }
0x3a: {  	[sflag:s6] =	ssyncset.done $0x0  }
0x3b: {  	s0 =	rddreg [dreg:$0xa];
	[sflag:s6] =	ssyncadd.s32 $0xFFFFC000  }
0x3c: {  	[hbm4b:s0+s13] =	stream.strided.scatter [tilespmem:s7], [sflag:$0x8], $0x4000, s14, s13, $0x38;
	[tilespmem:$0x18200] =	vst v63  }
0x3d: {  	_ =	swait.ge [sflag:s3], $0x4000  }
0x3e: {  	[sflag:s3] =	ssyncset.done $0x0  }
0x3f: {  	[sflag:s3] =	ssyncadd.s32 $0xFFFFC000  }
0x40: {  	[tilespmem:s7], [sflag:$0x2] =	stream.indirect.gather [hbm4b:s1+s25], $0x80, s4, s25, $0xb8;
	[tilespmem:$0x18200] =	vst v63  }
0x41: {  	_ =	swait.ge [sflag:s31], $0x4000  }
0x42: {  	[sflag:s31] =	ssyncset.done $0x0  }
0x43: {  	s1 =	rddreg [dreg:$0xb];
	[sflag:s31] =	ssyncadd.s32 $0xFFFFC000  }
0x44: {  	[hbm4b:s1+s13] =	stream.strided.scatter [tilespmem:s28], [sflag:$0x9], $0x4000, s14, s13, $0x38;
	[tilespmem:$0x18200] =	vst v63  }
0x45: {  	_ =	swait.ge [sflag:s29], $0x4000  }
0x46: {  	[sflag:s29] =	ssyncset.done $0x0  }
0x47: {  	s1 =	rddreg [dreg:$0xc];
	[sflag:s29] =	ssyncadd.s32 $0xFFFFC000  }
0x48: {  	[hbm4b:s1+s13] =	stream.strided.scatter [tilespmem:s23], [sflag:$0xA], $0x4000, s14, s13, $0x38;
	[tilespmem:$0x18200] =	vst v63  }
0x49: {  	_ =	swait.ge [sflag:s26], $0x4000  }
0x4a: {  	[sflag:s26] =	ssyncset.done $0x0  }
0x4b: {  	s1 =	rddreg [dreg:$0xd];
	[sflag:s26] =	ssyncadd.s32 $0xFFFFC000  }
0x4c: {  	[hbm4b:s1+s13] =	stream.strided.scatter [tilespmem:s22], [sflag:$0xB], $0x4000, s14, s13, $0x38;
	[tilespmem:$0x18200] =	vst v63  }
0x4d: {  	_ =	swait.ge [sflag:s24], $0x4000  }
0x4e: {  	[sflag:s24] =	ssyncset.done $0x0  }
0x4f: {  	s1 =	rddreg [dreg:$0xe];
	[sflag:s24] =	ssyncadd.s32 $0xFFFFC000  }
0x50: {  	[hbm4b:s1+s13] =	stream.strided.scatter [tilespmem:s21], [sflag:$0xC], $0x4000, s14, s13, $0x38;
	[tilespmem:$0x18200] =	vst v63  }
0x51: {  	_ =	swait.ge [sflag:s8], $0x4000  }
0x52: {  	[sflag:s8] =	ssyncset.done $0x0  }
0x53: {  	s1 =	rddreg [dreg:$0xf];
	[sflag:s8] =	ssyncadd.s32 $0xFFFFC000  }
0x54: {  	[hbm4b:s1+s13] =	stream.strided.scatter [tilespmem:s10], [sflag:$0x7], $0x4000, s14, s13, $0x38;
	[tilespmem:$0x18200] =	vst v63  }
0x55: {  	_ =	swait.ge [sflag:s6], $0x4000  }
0x56: {  	[sflag:s6] =	ssyncset.done $0x0  }
0x57: {  	[sflag:s6] =	ssyncadd.s32 $0xFFFFC000  }
0x58: {  	[hbm4b:s9+s13] =	stream.strided.scatter [tilespmem:s7], [sflag:$0x8], $0x4000, s14, s13, $0x38;
	[tilespmem:$0x18200] =	vst v63  }
0x59: {  	_ =	swait.ge [sflag:s20], $0x4000  }
0x5a: {  	[sflag:s20] =	ssyncset.done $0x0  }
0x5b: {  	[sflag:s20] =	ssyncadd.s32 $0xFFFFC000  }
0x5c: {  	_ =	swait.ge [sflag:s18], $0x4000  }
0x5d: {  	[sflag:s18] =	ssyncset.done $0x0  }
0x5e: {  	[sflag:s18] =	ssyncadd.s32 $0xFFFFC000  }
0x5f: {  	_ =	swait.ge [sflag:s17], $0x4000  }
0x60: {  	[sflag:s17] =	ssyncset.done $0x0  }
0x61: {  	[sflag:s17] =	ssyncadd.s32 $0xFFFFC000  }
0x62: {  	_ =	swait.ge [sflag:s15], $0x4000  }
0x63: {  	[sflag:s15] =	ssyncset.done $0x0  }
0x64: {  	p1 =	sne.s32 s2, $0x1;
	[sflag:s15] =	ssyncadd.s32 $0xFFFFC000  }
.Ltmp1:
0x65: {  	_ =	swait.ge [sflag:s5], $0x4000;
	(pc) =	sbr.rel @!p1 .LBB2_3-.Ltmp1, $4  }
0x66: {  	[sflag:s5] =	ssyncset.done $0x0  }
0x67: {  	[sflag:s5] =	ssyncadd.s32 $0xFFFFC000  }
0x68: {  	p0 =	por $0x1, $0x1;
	_ =	swait.ge [sflag:s3], $0x4000  }
0x69: {  	s0 =	sadd.s32 $0xFFFFFFFF, s2;
	s1 =	rddreg [dreg:$0x7];
	[sflag:s3] =	ssyncset.done $0x0  }
.LBB2_4:
0x6a: {  	[sflag:s3] =	ssyncadd.s32 $0xFFFFC000  }
0x6b: {  	[tilespmem:s16], [sflag:$0x1] =	stream.linear.gather [hbm4b:s1+s16], $0x100, $0x38;
	[tilespmem:$0x18200] =	vst v63  }
0x6c: {  	s2 =	rddreg [dreg:$0x8]  }
0x6d: {  	[tilespmem:s30], [sflag:$0x2] =	stream.linear.gather [hbm4b:s2+s16], $0x100, $0x38;
	[tilespmem:$0x18200] =	vst v63  }
0x6e: {  	_ =	swait.ge [sflag:s8], $0x100  }
0x6f: {  	[sflag:s8] =	ssyncset.done $0x0  }
0x70: {  	[sflag:s8] =	ssyncadd.s32 $0xFFFFFF00  }
0x71: {  	_ =	swait.ge [sflag:s6], $0x100  }
0x72: {  	[sflag:s6] =	ssyncset.done $0x0  }
0x73: {  	[sflag:s6] =	ssyncadd.s32 $0xFFFFFF00  }
0x74: {  	[tilespmem:s10], [sflag:$0x1] =	stream.indirect.gather [hbm4b:s19+s25], $0x80, s16, s25, $0xb8;
	[tilespmem:$0x18200] =	vst v63  }
0x75: {  	_ = 	snop  }
0x76: {  	[tilespmem:s7], [sflag:$0x2] =	stream.indirect.gather [hbm4b:s19+s25], $0x80, s25, s25, $0xb8;
	[tilespmem:$0x18200] =	vst v63  }
0x77: {  	_ = 	snop  }
0x78: {  	[tilespmem:s28], [sflag:$0x3] =	stream.indirect.gather [hbm4b:s12+s25], $0x80, s30, s25, $0xb8;
	[tilespmem:$0x18200] =	vst v63  }
0x79: {  	_ = 	snop  }
0x7a: {  	[tilespmem:s23], [sflag:$0x4] =	stream.indirect.gather [hbm4b:s12+s25], $0x80, s4, s25, $0xb8;
	[tilespmem:$0x18200] =	vst v63  }
0x7b: {  	_ = 	snop  }
0x7c: {  	[tilespmem:s22], [sflag:$0x5] =	stream.indirect.gather [hbm4b:s11+s25], $0x80, s16, s25, $0xb8;
	[tilespmem:$0x18200] =	vst v63  }
0x7d: {  	_ = 	snop  }
0x7e: {  	[tilespmem:s21], [sflag:$0x6] =	stream.indirect.gather [hbm4b:s11+s25], $0x80, s25, s25, $0xb8;
	[tilespmem:$0x18200] =	vst v63  }
0x7f: {  	_ =	swait.ge [sflag:s8], $0x4000  }
0x80: {  	[sflag:s8] =	ssyncset.done $0x0  }
0x81: {  	s2 =	rddreg [dreg:$0x9];
	[sflag:s8] =	ssyncadd.s32 $0xFFFFC000  }
0x82: {  	[hbm4b:s2+s13] =	stream.strided.scatter [tilespmem:s10], [sflag:$0x7], $0x4000, s14, s13, $0x38;
	[tilespmem:$0x18200] =	vst v63  }
0x83: {  	_ =	swait.ge [sflag:s5], $0x4000  }
0x84: {  	[sflag:s5] =	ssyncset.done $0x0  }
0x85: {  	[sflag:s5] =	ssyncadd.s32 $0xFFFFC000  }
0x86: {  	s2 =	rddreg [dreg:$0x5]  }
0x87: {  	[tilespmem:s10], [sflag:$0x1] =	stream.indirect.gather [hbm4b:s2+s25], $0x80, s30, s25, $0xb8;
	[tilespmem:$0x18200] =	vst v63  }
0x88: {  	_ =	swait.ge [sflag:s6], $0x4000  }
0x89: {  	[sflag:s6] =	ssyncset.done $0x0  }
0x8a: {  	s1 =	rddreg [dreg:$0xa];
	[sflag:s6] =	ssyncadd.s32 $0xFFFFC000  }
0x8b: {  	[hbm4b:s1+s13] =	stream.strided.scatter [tilespmem:s7], [sflag:$0x8], $0x4000, s14, s13, $0x38;
	[tilespmem:$0x18200] =	vst v63  }
0x8c: {  	_ =	swait.ge [sflag:s3], $0x4000  }
0x8d: {  	[sflag:s3] =	ssyncset.done $0x0  }
0x8e: {  	[sflag:s3] =	ssyncadd.s32 $0xFFFFC000  }
0x8f: {  	[tilespmem:s7], [sflag:$0x2] =	stream.indirect.gather [hbm4b:s2+s25], $0x80, s4, s25, $0xb8;
	[tilespmem:$0x18200] =	vst v63  }
0x90: {  	_ =	swait.ge [sflag:s31], $0x4000  }
0x91: {  	[sflag:s31] =	ssyncset.done $0x0  }
0x92: {  	s2 =	rddreg [dreg:$0xb];
	[sflag:s31] =	ssyncadd.s32 $0xFFFFC000  }
0x93: {  	[hbm4b:s2+s13] =	stream.strided.scatter [tilespmem:s28], [sflag:$0x9], $0x4000, s14, s13, $0x38;
	[tilespmem:$0x18200] =	vst v63  }
0x94: {  	_ =	swait.ge [sflag:s29], $0x4000  }
0x95: {  	[sflag:s29] =	ssyncset.done $0x0  }
0x96: {  	s2 =	rddreg [dreg:$0xc];
	[sflag:s29] =	ssyncadd.s32 $0xFFFFC000  }
0x97: {  	[hbm4b:s2+s13] =	stream.strided.scatter [tilespmem:s23], [sflag:$0xA], $0x4000, s14, s13, $0x38;
	[tilespmem:$0x18200] =	vst v63  }
0x98: {  	_ =	swait.ge [sflag:s26], $0x4000  }
0x99: {  	[sflag:s26] =	ssyncset.done $0x0  }
0x9a: {  	s2 =	rddreg [dreg:$0xd];
	[sflag:s26] =	ssyncadd.s32 $0xFFFFC000  }
0x9b: {  	[hbm4b:s2+s13] =	stream.strided.scatter [tilespmem:s22], [sflag:$0xB], $0x4000, s14, s13, $0x38;
	[tilespmem:$0x18200] =	vst v63  }
0x9c: {  	_ =	swait.ge [sflag:s24], $0x4000  }
0x9d: {  	[sflag:s24] =	ssyncset.done $0x0  }
0x9e: {  	s2 =	rddreg [dreg:$0xe];
	[sflag:s24] =	ssyncadd.s32 $0xFFFFC000  }
0x9f: {  	[hbm4b:s2+s13] =	stream.strided.scatter [tilespmem:s21], [sflag:$0xC], $0x4000, s14, s13, $0x38;
	[tilespmem:$0x18200] =	vst v63  }
0xa0: {  	_ =	swait.ge [sflag:s8], $0x4000  }
0xa1: {  	[sflag:s8] =	ssyncset.done $0x0  }
0xa2: {  	s2 =	rddreg [dreg:$0xf];
	[sflag:s8] =	ssyncadd.s32 $0xFFFFC000  }
0xa3: {  	[hbm4b:s2+s13] =	stream.strided.scatter [tilespmem:s10], [sflag:$0x7], $0x4000, s14, s13, $0x38;
	[tilespmem:$0x18200] =	vst v63  }
0xa4: {  	_ =	swait.ge [sflag:s6], $0x4000  }
0xa5: {  	[sflag:s6] =	ssyncset.done $0x0  }
0xa6: {  	[sflag:s6] =	ssyncadd.s32 $0xFFFFC000  }
0xa7: {  	[hbm4b:s9+s13] =	stream.strided.scatter [tilespmem:s7], [sflag:$0x8], $0x4000, s14, s13, $0x38;
	[tilespmem:$0x18200] =	vst v63  }
0xa8: {  	_ =	swait.ge [sflag:s20], $0x4000  }
0xa9: {  	[sflag:s20] =	ssyncset.done $0x0  }
0xaa: {  	[sflag:s20] =	ssyncadd.s32 $0xFFFFC000  }
0xab: {  	_ =	swait.ge [sflag:s18], $0x4000  }
0xac: {  	[sflag:s18] =	ssyncset.done $0x0  }
0xad: {  	[sflag:s18] =	ssyncadd.s32 $0xFFFFC000  }
0xae: {  	_ =	swait.ge [sflag:s17], $0x4000  }
0xaf: {  	[sflag:s17] =	ssyncset.done $0x0  }
0xb0: {  	[sflag:s17] =	ssyncadd.s32 $0xFFFFC000  }
0xb1: {  	_ =	swait.ge [sflag:s15], $0x4000  }
0xb2: {  	[sflag:s15] =	ssyncset.done $0x0  }
0xb3: {  	p1 =	sne.s32 s0, $0x1;
	[sflag:s15] =	ssyncadd.s32 $0xFFFFC000  }
.Ltmp2:
0xb4: {  	_ =	swait.ge [sflag:s5], $0x4000;
	(pc) =	sbr.rel @p1 .LBB2_4-.Ltmp2, $4  }
0xb5: {  	[sflag:s5] =	ssyncset.done $0x0  }
0xb6: {  	[sflag:s5] =	ssyncadd.s32 $0xFFFFC000  }
0xb7: {  	_ =	swait.ge [sflag:s3], $0x4000  }
0xb8: {  	s0 =	sadd.s32 $0xFFFFFFFF, s0;
	s1 =	rddreg [dreg:$0x7];
	[sflag:s3] =	ssyncset.done $0x0  }
0xb9: {  	s21 =	rddreg [dreg:$0x5]  }
0xba: {  	s2 =	rddreg [dreg:$0x6]  }
.LBB2_6:
0xbb: {  	[sflag:s3] =	ssyncadd.s32 @p0 $0xFFFFC000  }
0xbc: {  	[tilespmem:s16], [sflag:$0x1] =	stream.linear.gather [hbm4b:s1+s16], $0x100, $0x38;
	[tilespmem:$0x18200] =	vst v63  }
0xbd: {  	s0 =	rddreg [dreg:$0x8]  }
0xbe: {  	[tilespmem:s30], [sflag:$0x2] =	stream.linear.gather [hbm4b:s0+s16], $0x100, $0x38;
	[tilespmem:$0x18200] =	vst v63  }
0xbf: {  	_ =	swait.ge [sflag:s8], $0x100  }
0xc0: {  	[sflag:s8] =	ssyncset.done $0x0  }
0xc1: {  	[sflag:s8] =	ssyncadd.s32 $0xFFFFFF00  }
0xc2: {  	_ =	swait.ge [sflag:s6], $0x100  }
0xc3: {  	[sflag:s6] =	ssyncset.done $0x0  }
0xc4: {  	[sflag:s6] =	ssyncadd.s32 $0xFFFFFF00  }
0xc5: {  	[tilespmem:s10], [sflag:$0x1] =	stream.indirect.gather [hbm4b:s19+s25], $0x80, s16, s25, $0xb8;
	[tilespmem:$0x18200] =	vst v63  }
0xc6: {  	_ = 	snop  }
0xc7: {  	[tilespmem:s7], [sflag:$0x2] =	stream.indirect.gather [hbm4b:s19+s25], $0x80, s25, s25, $0xb8;
	[tilespmem:$0x18200] =	vst v63  }
0xc8: {  	s22 =	simm.s32 $0x8200  }
0xc9: {  	[tilespmem:s22], [sflag:$0x3] =	stream.indirect.gather [hbm4b:s12+s25], $0x80, s30, s25, $0xb8;
	[tilespmem:$0x18200] =	vst v63  }
0xca: {  	s28 =	simm.s32 $0xC200  }
0xcb: {  	[tilespmem:s28], [sflag:$0x4] =	stream.indirect.gather [hbm4b:s12+s25], $0x80, s4, s25, $0xb8;
	[tilespmem:$0x18200] =	vst v63  }
0xcc: {  	s12 =	simm.s32 $0x10200  }
0xcd: {  	[tilespmem:s12], [sflag:$0x5] =	stream.indirect.gather [hbm4b:s11+s25], $0x80, s16, s25, $0xb8;
	[tilespmem:$0x18200] =	vst v63  }
0xce: {  	s1 =	simm.s32 $0x14200  }
0xcf: {  	[tilespmem:s1], [sflag:$0x6] =	stream.indirect.gather [hbm4b:s11+s25], $0x80, s25, s25, $0xb8;
	[tilespmem:$0x18200] =	vst v63  }
0xd0: {  	_ =	swait.ge [sflag:s8], $0x4000  }
0xd1: {  	[sflag:s8] =	ssyncset.done $0x0  }
0xd2: {  	s11 =	rddreg [dreg:$0x9];
	[sflag:s8] =	ssyncadd.s32 $0xFFFFC000  }
0xd3: {  	[hbm4b:s11+s13] =	stream.strided.scatter [tilespmem:s10], [sflag:$0x7], $0x4000, s14, s13, $0x38;
	[tilespmem:$0x18200] =	vst v63  }
0xd4: {  	_ =	swait.ge [sflag:s5], $0x4000  }
0xd5: {  	[sflag:s5] =	ssyncset.done $0x0  }
0xd6: {  	[sflag:s5] =	ssyncadd.s32 $0xFFFFC000  }
0xd7: {  	[tilespmem:s10], [sflag:$0x1] =	stream.indirect.gather [hbm4b:s21+s25], $0x80, s30, s25, $0xb8;
	[tilespmem:$0x18200] =	vst v63  }
0xd8: {  	_ =	swait.ge [sflag:s6], $0x4000  }
0xd9: {  	[sflag:s6] =	ssyncset.done $0x0  }
0xda: {  	s16 =	rddreg [dreg:$0xa];
	[sflag:s6] =	ssyncadd.s32 $0xFFFFC000  }
0xdb: {  	[hbm4b:s16+s13] =	stream.strided.scatter [tilespmem:s7], [sflag:$0x8], $0x4000, s14, s13, $0x38;
	[tilespmem:$0x18200] =	vst v63  }
0xdc: {  	_ =	swait.ge [sflag:s3], $0x4000  }
0xdd: {  	[sflag:s3] =	ssyncset.done $0x0  }
0xde: {  	[sflag:s3] =	ssyncadd.s32 $0xFFFFC000  }
0xdf: {  	[tilespmem:s7], [sflag:$0x2] =	stream.indirect.gather [hbm4b:s21+s25], $0x80, s4, s25, $0xb8;
	[tilespmem:$0x18200] =	vst v63  }
0xe0: {  	_ =	swait.ge [sflag:s31], $0x4000  }
0xe1: {  	[sflag:s31] =	ssyncset.done $0x0  }
0xe2: {  	s23 =	rddreg [dreg:$0xb];
	[sflag:s31] =	ssyncadd.s32 $0xFFFFC000  }
0xe3: {  	[hbm4b:s23+s13] =	stream.strided.scatter [tilespmem:s22], [sflag:$0x9], $0x4000, s14, s13, $0x38;
	[tilespmem:$0x18200] =	vst v63  }
0xe4: {  	_ =	swait.ge [sflag:s29], $0x4000  }
0xe5: {  	[sflag:s29] =	ssyncset.done $0x0  }
0xe6: {  	s25 =	rddreg [dreg:$0xc];
	[sflag:s29] =	ssyncadd.s32 $0xFFFFC000  }
0xe7: {  	[hbm4b:s25+s13] =	stream.strided.scatter [tilespmem:s28], [sflag:$0xA], $0x4000, s14, s13, $0x38;
	[tilespmem:$0x18200] =	vst v63  }
0xe8: {  	_ =	swait.ge [sflag:s26], $0x4000  }
0xe9: {  	[sflag:s26] =	ssyncset.done $0x0  }
0xea: {  	s28 =	rddreg [dreg:$0xd];
	[sflag:s26] =	ssyncadd.s32 $0xFFFFC000  }
0xeb: {  	[hbm4b:s28+s13] =	stream.strided.scatter [tilespmem:s12], [sflag:$0xB], $0x4000, s14, s13, $0x38;
	[tilespmem:$0x18200] =	vst v63  }
0xec: {  	_ =	swait.ge [sflag:s24], $0x4000  }
0xed: {  	[sflag:s24] =	ssyncset.done $0x0  }
0xee: {  	s29 =	rddreg [dreg:$0xe];
	[sflag:s24] =	ssyncadd.s32 $0xFFFFC000  }
0xef: {  	[hbm4b:s29+s13] =	stream.strided.scatter [tilespmem:s1], [sflag:$0xC], $0x4000, s14, s13, $0x38;
	[tilespmem:$0x18200] =	vst v63  }
0xf0: {  	_ =	swait.ge [sflag:s8], $0x4000  }
0xf1: {  	[sflag:s8] =	ssyncset.done $0x0  }
0xf2: {  	s30 =	rddreg [dreg:$0xf];
	[sflag:s8] =	ssyncadd.s32 $0xFFFFC000  }
0xf3: {  	[hbm4b:s30+s13] =	stream.strided.scatter [tilespmem:s10], [sflag:$0x7], $0x4000, s14, s13, $0x38;
	[tilespmem:$0x18200] =	vst v63  }
0xf4: {  	_ =	swait.ge [sflag:s6], $0x4000  }
0xf5: {  	[sflag:s6] =	ssyncset.done $0x0  }
0xf6: {  	[sflag:s6] =	ssyncadd.s32 $0xFFFFC000  }
0xf7: {  	[hbm4b:s9+s13] =	stream.strided.scatter [tilespmem:s7], [sflag:$0x8], $0x4000, s14, s13, $0x38;
	[tilespmem:$0x18200] =	vst v63  }
0xf8: {  	_ =	swait.ge [sflag:s20], $0x4000  }
0xf9: {  	[sflag:s20] =	ssyncset.done $0x0  }
0xfa: {  	[sflag:s20] =	ssyncadd.s32 $0xFFFFC000  }
0xfb: {  	_ =	swait.ge [sflag:s18], $0x4000  }
0xfc: {  	[sflag:s18] =	ssyncset.done $0x0  }
0xfd: {  	[sflag:s18] =	ssyncadd.s32 $0xFFFFC000  }
0xfe: {  	_ =	swait.ge [sflag:s17], $0x4000  }
0xff: {  	[sflag:s17] =	ssyncset.done $0x0  }
0x100: {  	[sflag:s17] =	ssyncadd.s32 $0xFFFFC000  }
0x101: {  	_ =	swait.ge [sflag:s15], $0x4000  }
0x102: {  	[sflag:s15] =	ssyncset.done $0x0  }
0x103: {  	[sflag:s15] =	ssyncadd.s32 $0xFFFFC000  }
0x104: {  	_ =	swait.ge [sflag:s5], $0x4000  }
0x105: {  	[sflag:s5] =	ssyncset.done $0x0  }
0x106: {  	[sflag:s5] =	ssyncadd.s32 $0xFFFFC000  }
0x107: {  	_ =	swait.ge [sflag:s3], $0x4000  }
0x108: {  	[sflag:s3] =	ssyncset.done $0x0  }
0x109: {  	[sflag:s3] =	ssyncadd.s32 $0xFFFFC000  }
0x10a: {  	_ =	sfence.sel $0x180000  }
0x10b: {  	s31 =	stileid.u32;
	[bflag:$0x0] =	sbarrier.arrive $0xFFFF  }
0x10c: {  	p0 =	sne.s32 s31, $0x0;
	_ =	strace $0x9000004A  }
0x10d: {  	s0 =	sadd.s32 @!p0 $0x100000, s2;
	[bflag:$0x2] =	sbarrier.arrive $0xFFFF  }
0x10e: {  	[sflag:s0] =	ssyncadd.tile.s32 @!p0 $0x1;
	_ =	shalt  }
.LBB2_1:
.Ltmp3:
0x10f: {  	(pc) =	sbr.rel .LBB2_6-.Ltmp3, $2  }
0x110: {  	_ =	sdelay $0x2  }
0x111: {  	s21 =	rddreg [dreg:$0x5]  }
.LBB2_3:
.Ltmp4:
0x112: {  	(pc) =	sbr.rel .LBB2_6-.Ltmp4, $3  }
0x113: {  	_ =	sdelay $0x1  }
0x114: {  	s21 =	rddreg [dreg:$0x5]  }
0x115: {  	s2 =	rddreg [dreg:$0x6]  }
.Lfunc_end2:
_tile_overlayer_lowered:
.L_overlay_start_2:
0x116: {  	(tag) =	ssettag $0x2  }
0x117: {  	s0 =	rddreg [dreg:$0x0];
	s2 =	stileid.u32  }
0x118: {  	s1 =	rddreg [dreg:$0x1];
	p0 =	sne.s32 s2, $0x0  }
0x119: {  	s3 =	rddreg [dreg:$0x2];
	[bflag:$0x3] =	sbarrier.arrive $0xFFFF;
	s2 =	simm.s32 @!p0 $0x1C0D  }
0x11a: {  	[timem:s3], [sflag:s2] =	dma.local @!p0 [hbm:s0], s1  }
0x11b: {  	s0 =	simm.s32 @!p0 $0xD  }
0x11c: {  	_ =	swait.ge @!p0 [sflag:s0], s1  }
0x11d: {  	s1 =	ssub.s32 @!p0 $0x0, s1;
	[sflag:s0] =	ssyncset.done @!p0 $0x0  }
0x11e: {  	[sflag:s0] =	ssyncadd.s32 @!p0 s1  }
0x11f: {  	[bflag:$0x3] =	sbarrier.arrive $0xFFFF  }
0x120: {  	_ =	shalt  }

</sc_bundles>
